<compile_context>
chip_gen: v7x
topology: tpu7x:2x2x1
jax: 0.10.2.dev20260603
libtpu: 0.0.44.dev20260713+nightly
codegen_flags: <defaults>
</compile_context>

<pallas_src>
import jax
import jax.numpy as jnp
from jax.experimental import pallas as pl
from jax.experimental.pallas import tpu as pltpu

_G = 2
_ITERS = 30
_B = 32
_N = 512
_D = 512
_P = _B * _N


def _kmeans_body(xnt_ref, xt_ref, c0_ref, out_ref):
    f32 = jnp.float32
    bf16 = jnp.bfloat16

    def assign_onehot(centers8):
        norm = jnp.sqrt(jnp.sum(centers8 * centers8, axis=1, keepdims=True))
        cn = (centers8 / (norm + 1e-8)).astype(bf16)
        simT = jax.lax.dot_general(
            cn, xnt_ref[...],
            dimension_numbers=(((1,), (0,)), ((), ())),
            preferred_element_type=f32)
        m1 = (simT[1:2, :] > simT[0:1, :]).astype(bf16)
        onehotT = jnp.concatenate(
            [1.0 - m1, m1, jnp.zeros((6, _P), bf16)], axis=0)
        return onehotT

    def update_centers(onehotT):
        sums = jax.lax.dot_general(
            onehotT, xt_ref[...],
            dimension_numbers=(((1,), (1,)), ((), ())),
            preferred_element_type=f32)
        cnt1 = jnp.sum(onehotT[1:2, :].astype(f32))
        row = jax.lax.broadcasted_iota(jnp.int32, (8, 1), 0)
        counts8 = jnp.where(row == 0, _P - cnt1,
                            jnp.where(row == 1, cnt1, 0.0))
        return sums / jnp.maximum(counts8, 1.0)

    centers8 = jnp.concatenate(
        [c0_ref[...], jnp.zeros((8 - _G, _D), f32)], axis=0)

    def body(_, c8):
        return update_centers(assign_onehot(c8))

    centers8 = jax.lax.fori_loop(0, _ITERS - 1, body, centers8)
    onehotT = assign_onehot(centers8)

    for b in range(_B):
        s = b * _N
        agg = jax.lax.dot_general(
            onehotT[:, s:s + _N], xt_ref[:, s:s + _N],
            dimension_numbers=(((1,), (1,)), ((), ())),
            preferred_element_type=f32)
        out_ref[b, :, :] = agg[:_G, :]


def kernel(person_feats_thisbatch_proj):
    B, N, d = person_feats_thisbatch_proj.shape
    X = person_feats_thisbatch_proj.reshape(B * N, d)
    init_idx = jax.random.choice(
        jax.random.key(42), B * N, shape=(_G,), replace=False)
    c0 = X[init_idx]
    Xn = X / (jnp.linalg.norm(X, axis=1, keepdims=True) + 1e-8)
    xnt = Xn.astype(jnp.bfloat16).T
    xt = X.astype(jnp.bfloat16).T
    return pl.pallas_call(
        _kmeans_body,
        out_shape=jax.ShapeDtypeStruct((B, _G, d), jnp.float32),
    )(xnt, xt, c0)

# --- scband reference (transcript-rebuilt; emitter-appended) ---
"""Pipeline reference for scband-person-to-group-82351702934098 (READ-ONLY COPY).

The authoritative reference and input builder live on the scoring server;
editing this copy changes nothing except your own understanding.
"""

import jax, jax.numpy as jnp
import numpy as np

G = 2
KMEANS_ITERS = 30


def _kmeans_cosine(X, num_clusters, iters, key):
    # Faithful jax port of kmeans_pytorch.kmeans with distance='cosine':
    # random initial centers drawn from the data, then alternate
    # (a) cosine-similarity assignment, (b) center = mean of assigned points.
    n, d = X.shape
    init_idx = jax.random.choice(key, n, shape=(num_clusters,), replace=False)
    centers = X[init_idx]
    Xn = X / (jnp.linalg.norm(X, axis=1, keepdims=True) + 1e-8)
    assign = jnp.zeros((n,), dtype=jnp.int32)
    for _ in range(iters):
        Cn = centers / (jnp.linalg.norm(centers, axis=1, keepdims=True) + 1e-8)
        sim = Xn @ Cn.T                      # [n, G] cosine similarity
        assign = jnp.argmax(sim, axis=1)     # argmin of (1 - cos) == argmax of cos
        onehot = jax.nn.one_hot(assign, num_clusters, dtype=X.dtype)  # [n, G]
        sums = onehot.T @ X                  # scatter-add of points into clusters
        counts = jnp.maximum(onehot.sum(axis=0), 1.0)[:, None]
        centers = sums / counts
    return assign


def setup_inputs(seed: int = 0) -> dict:
    key = jax.random.key(seed)
    x = jax.random.normal(key, (32, 512, 512), dtype=jnp.float32)
    return {"person_feats_thisbatch_proj": x}


def reference(person_feats_thisbatch_proj):
    B, N, d = person_feats_thisbatch_proj.shape
    X = person_feats_thisbatch_proj.reshape(B * N, d)
    cluster_ids_x = _kmeans_cosine(X, G, KMEANS_ITERS, jax.random.key(42))
    cluster_ids = cluster_ids_x.reshape(B, N)
    # per-batch, per-cluster sum of person features (the double python loop
    # with nonzero()+sum in the torch code == one-hot segment-sum):
    onehot = jax.nn.one_hot(cluster_ids, G, dtype=person_feats_thisbatch_proj.dtype)  # [B, N, G]
    group_track_feats = jnp.einsum('bng,bnd->bgd', onehot, person_feats_thisbatch_proj)  # [B, G, d]
    return group_track_feats

if __name__ == "__main__":
    import jax
    _d = setup_inputs()
    print(jax.jit(kernel)(*tuple(_d.values())))

</pallas_src>

<mosaic_0001>
module attributes {stable_mosaic.version = 14 : i64} {
  func.func @_kmeans_body(%arg0: memref<512x16384xbf16, #tpu.memory_space<vmem>>, %arg1: memref<512x16384xbf16, #tpu.memory_space<vmem>>, %arg2: memref<2x512xf32, #tpu.memory_space<vmem>>, %arg3: memref<32x2x512xf32, #tpu.memory_space<vmem>>) attributes {dimension_semantics = [], scalar_prefetch = 0 : i64, scratch_operands = 0 : i64, tpu.core_type = #tpu.core_type<tc>} {
    %get3A = arith.constant 0 : index
    %get3A_0 = arith.constant 0 : index
    %get3A_1 = vector.load %arg2[%get3A, %get3A_0] : memref<2x512xf32, #tpu.memory_space<vmem>>, vector<2x512xf32>
    %broadcast_in_dim3A = arith.constant 0.000000e+00 : f32
    %broadcast_in_dim3A_2 = vector.broadcast %broadcast_in_dim3A : f32 to vector<6x512xf32>
    %concatenate3A = tpu.concatenate %get3A_1, %broadcast_in_dim3A_2 in 0 : vector<2x512xf32>, vector<6x512xf32> -> vector<8x512xf32>
    %scan3A = arith.constant 0 : i32
    %scan3A_3 = arith.constant 29 : i32
    %scan3A_4 = arith.addi %scan3A, %scan3A_3 : i32
    %scan3A_5 = arith.constant 1 : i32
    %scan3A_6 = scf.for %scan3A_440 = %scan3A to %scan3A_4 step %scan3A_5 iter_args(%scan3A_441 = %concatenate3A) -> (vector<8x512xf32>)  : i32 {
      %mul3A_442 = arith.mulf %scan3A_441, %scan3A_441 : vector<8x512xf32>
      %reduce_sum3A_443 = arith.constant dense<0.000000e+00> : vector<8xf32>
      %reduce_sum3A_444 = vector.multi_reduction <add>, %mul3A_442, %reduce_sum3A_443 [1] : vector<8x512xf32> to vector<8xf32>
      %broadcast_in_dim3A_445 = vector.shape_cast %reduce_sum3A_444 : vector<8xf32> to vector<8x1xf32>
      %sqrt3A_446 = math.sqrt %broadcast_in_dim3A_445 : vector<8x1xf32>
      %add3A_447 = arith.constant 9.99999993E-9 : f32
      %add3A_448 = vector.broadcast %add3A_447 : f32 to vector<8x1xf32>
      %add3A_449 = arith.addf %sqrt3A_446, %add3A_448 : vector<8x1xf32>
      %div3A_450 = vector.broadcast %add3A_449 : vector<8x1xf32> to vector<8x512xf32>
      %div3A_451 = arith.divf %scan3A_441, %div3A_450 : vector<8x512xf32>
      %convert_element_type3A_452 = arith.truncf %div3A_451 : vector<8x512xf32> to vector<8x512xbf16>
      %get3A_453 = arith.constant 0 : index
      %get3A_454 = arith.constant 0 : index
      %get3A_455 = vector.load %arg0[%get3A_453, %get3A_454] : memref<512x16384xbf16, #tpu.memory_space<vmem>>, vector<512x16384xbf16>
      %dot_general3A_456 = arith.constant dense<0.000000e+00> : vector<8x16384xf32>
      %dot_general3A_457 = tpu.matmul %convert_element_type3A_452, %get3A_455, %dot_general3A_456 {dimension_numbers = #tpu.dot_dimension_numbers<[1], [0], [0], [1], [0, 0, 1, 1], [], []>, transpose_lhs_hint = false} : vector<8x512xbf16>, vector<512x16384xbf16>, vector<8x16384xf32> -> vector<8x16384xf32>
      %slice3A_458 = vector.extract_strided_slice %dot_general3A_457 {offsets = [1, 0], sizes = [1, 16384], strides = [1, 1]} : vector<8x16384xf32> to vector<1x16384xf32>
      %slice3A_459 = vector.extract_strided_slice %dot_general3A_457 {offsets = [0, 0], sizes = [1, 16384], strides = [1, 1]} : vector<8x16384xf32> to vector<1x16384xf32>
      %gt3A_460 = arith.cmpf ogt, %slice3A_458, %slice3A_459 : vector<1x16384xf32>
      %convert_element_type3A_461 = arith.extui %gt3A_460 : vector<1x16384xi1> to vector<1x16384xi32>
      %convert_element_type3A_462 = arith.sitofp %convert_element_type3A_461 : vector<1x16384xi32> to vector<1x16384xf32>
      %convert_element_type3A_463 = arith.truncf %convert_element_type3A_462 : vector<1x16384xf32> to vector<1x16384xbf16>
      %sub3A_464 = arith.constant 1.000000e+00 : bf16
      %sub3A_465 = vector.broadcast %sub3A_464 : bf16 to vector<1x16384xbf16>
      %sub3A_466 = arith.subf %sub3A_465, %convert_element_type3A_463 : vector<1x16384xbf16>
      %broadcast_in_dim3A_467 = arith.constant 0.000000e+00 : bf16
      %broadcast_in_dim3A_468 = vector.broadcast %broadcast_in_dim3A_467 : bf16 to vector<6x16384xbf16>
      %concatenate3A_469 = tpu.concatenate %sub3A_466, %convert_element_type3A_463, %broadcast_in_dim3A_468 in 0 : vector<1x16384xbf16>, vector<1x16384xbf16>, vector<6x16384xbf16> -> vector<8x16384xbf16>
      %get3A_470 = arith.constant 0 : index
      %get3A_471 = arith.constant 0 : index
      %get3A_472 = vector.load %arg1[%get3A_470, %get3A_471] : memref<512x16384xbf16, #tpu.memory_space<vmem>>, vector<512x16384xbf16>
      %dot_general3A_473 = arith.constant dense<0.000000e+00> : vector<8x512xf32>
      %dot_general3A_474 = tpu.matmul %concatenate3A_469, %get3A_472, %dot_general3A_473 {dimension_numbers = #tpu.dot_dimension_numbers<[1], [1], [0], [0], [0, 0, 1, 0], [], []>, transpose_lhs_hint = false} : vector<8x16384xbf16>, vector<512x16384xbf16>, vector<8x512xf32> -> vector<8x512xf32>
      %slice3A_475 = vector.extract_strided_slice %concatenate3A_469 {offsets = [1, 0], sizes = [1, 16384], strides = [1, 1]} : vector<8x16384xbf16> to vector<1x16384xbf16>
      %convert_element_type3A_476 = arith.extf %slice3A_475 : vector<1x16384xbf16> to vector<1x16384xf32>
      %reduce_sum3A_477 = vector.shape_cast %convert_element_type3A_476 : vector<1x16384xf32> to vector<1x1x16384xf32>
      %reduce_sum3A_478 = arith.constant dense<0.000000e+00> : vector<1xf32>
      %reduce_sum3A_479 = vector.multi_reduction <add>, %reduce_sum3A_477, %reduce_sum3A_478 [1, 2] : vector<1x1x16384xf32> to vector<1xf32>
      %reduce_sum3A_480 = vector.shape_cast %reduce_sum3A_479 : vector<1xf32> to vector<1x1x1xf32>
      %reduce_sum3A_481 = vector.extract %reduce_sum3A_480[0, 0, 0] : f32 from vector<1x1x1xf32>
      %iota3A = tpu.iota {dimensions = array<i32: 0>} : vector<8x1xi32>
      %eq3A = arith.constant 0 : i32
      %eq3A_482 = vector.broadcast %eq3A : i32 to vector<8x1xi32>
      %eq3A_483 = arith.cmpi eq, %iota3A, %eq3A_482 : vector<8x1xi32>
      %sub3A_484 = arith.constant 1.638400e+04 : f32
      %sub3A_485 = arith.subf %sub3A_484, %reduce_sum3A_481 : f32
      %eq3A_486 = arith.constant 1 : i32
      %eq3A_487 = vector.broadcast %eq3A_486 : i32 to vector<8x1xi32>
      %eq3A_488 = arith.cmpi eq, %iota3A, %eq3A_487 : vector<8x1xi32>
      %jit3A = arith.constant 0.000000e+00 : f32
      %broadcast_in_dim3A_489 = vector.broadcast %reduce_sum3A_481 : f32 to vector<8x1xf32>
      %broadcast_in_dim3A_490 = vector.broadcast %jit3A : f32 to vector<8x1xf32>
      %select_n3A = arith.select %eq3A_488, %broadcast_in_dim3A_489, %broadcast_in_dim3A_490 : vector<8x1xi1>, vector<8x1xf32>
      %broadcast_in_dim3A_491 = vector.broadcast %sub3A_485 : f32 to vector<8x1xf32>
      %select_n3A_492 = arith.select %eq3A_483, %broadcast_in_dim3A_491, %select_n3A : vector<8x1xi1>, vector<8x1xf32>
      %max3A = arith.constant 1.000000e+00 : f32
      %max3A_493 = vector.broadcast %max3A : f32 to vector<8x1xf32>
      %max3A_494 = arith.maximumf %select_n3A_492, %max3A_493 : vector<8x1xf32>
      %div3A_495 = vector.broadcast %max3A_494 : vector<8x1xf32> to vector<8x512xf32>
      %div3A_496 = arith.divf %dot_general3A_474, %div3A_495 : vector<8x512xf32>
      scf.yield %div3A_496 : vector<8x512xf32>
    }
    %mul3A = arith.mulf %scan3A_6, %scan3A_6 : vector<8x512xf32>
    %reduce_sum3A = arith.constant dense<0.000000e+00> : vector<8xf32>
    %reduce_sum3A_7 = vector.multi_reduction <add>, %mul3A, %reduce_sum3A [1] : vector<8x512xf32> to vector<8xf32>
    %broadcast_in_dim3A_8 = vector.shape_cast %reduce_sum3A_7 : vector<8xf32> to vector<8x1xf32>
    %sqrt3A = math.sqrt %broadcast_in_dim3A_8 : vector<8x1xf32>
    %add3A = arith.constant 9.99999993E-9 : f32
    %add3A_9 = vector.broadcast %add3A : f32 to vector<8x1xf32>
    %add3A_10 = arith.addf %sqrt3A, %add3A_9 : vector<8x1xf32>
    %div3A = vector.broadcast %add3A_10 : vector<8x1xf32> to vector<8x512xf32>
    %div3A_11 = arith.divf %scan3A_6, %div3A : vector<8x512xf32>
    %convert_element_type3A = arith.truncf %div3A_11 : vector<8x512xf32> to vector<8x512xbf16>
    %get3A_12 = arith.constant 0 : index
    %get3A_13 = arith.constant 0 : index
    %get3A_14 = vector.load %arg0[%get3A_12, %get3A_13] : memref<512x16384xbf16, #tpu.memory_space<vmem>>, vector<512x16384xbf16>
    %dot_general3A = arith.constant dense<0.000000e+00> : vector<8x16384xf32>
    %dot_general3A_15 = tpu.matmul %convert_element_type3A, %get3A_14, %dot_general3A {dimension_numbers = #tpu.dot_dimension_numbers<[1], [0], [0], [1], [0, 0, 1, 1], [], []>, transpose_lhs_hint = false} : vector<8x512xbf16>, vector<512x16384xbf16>, vector<8x16384xf32> -> vector<8x16384xf32>
    %slice3A = vector.extract_strided_slice %dot_general3A_15 {offsets = [1, 0], sizes = [1, 16384], strides = [1, 1]} : vector<8x16384xf32> to vector<1x16384xf32>
    %slice3A_16 = vector.extract_strided_slice %dot_general3A_15 {offsets = [0, 0], sizes = [1, 16384], strides = [1, 1]} : vector<8x16384xf32> to vector<1x16384xf32>
    %gt3A = arith.cmpf ogt, %slice3A, %slice3A_16 : vector<1x16384xf32>
    %convert_element_type3A_17 = arith.extui %gt3A : vector<1x16384xi1> to vector<1x16384xi32>
    %convert_element_type3A_18 = arith.sitofp %convert_element_type3A_17 : vector<1x16384xi32> to vector<1x16384xf32>
    %convert_element_type3A_19 = arith.truncf %convert_element_type3A_18 : vector<1x16384xf32> to vector<1x16384xbf16>
    %sub3A = arith.constant 1.000000e+00 : bf16
    %sub3A_20 = vector.broadcast %sub3A : bf16 to vector<1x16384xbf16>
    %sub3A_21 = arith.subf %sub3A_20, %convert_element_type3A_19 : vector<1x16384xbf16>
    %broadcast_in_dim3A_22 = arith.constant 0.000000e+00 : bf16
    %broadcast_in_dim3A_23 = vector.broadcast %broadcast_in_dim3A_22 : bf16 to vector<6x16384xbf16>
    %concatenate3A_24 = tpu.concatenate %sub3A_21, %convert_element_type3A_19, %broadcast_in_dim3A_23 in 0 : vector<1x16384xbf16>, vector<1x16384xbf16>, vector<6x16384xbf16> -> vector<8x16384xbf16>
    %slice3A_25 = vector.extract_strided_slice %concatenate3A_24 {offsets = [0, 0], sizes = [8, 512], strides = [1, 1]} : vector<8x16384xbf16> to vector<8x512xbf16>
    %get3A_26 = arith.constant 0 : index
    %get3A_27 = arith.constant 0 : index
    %get3A_28 = vector.load %arg1[%get3A_26, %get3A_27] : memref<512x16384xbf16, #tpu.memory_space<vmem>>, vector<512x512xbf16>
    %dot_general3A_29 = arith.constant dense<0.000000e+00> : vector<8x512xf32>
    %dot_general3A_30 = tpu.matmul %slice3A_25, %get3A_28, %dot_general3A_29 {dimension_numbers = #tpu.dot_dimension_numbers<[1], [1], [0], [0], [0, 0, 1, 0], [], []>, transpose_lhs_hint = false} : vector<8x512xbf16>, vector<512x512xbf16>, vector<8x512xf32> -> vector<8x512xf32>
    %slice3A_31 = vector.extract_strided_slice %dot_general3A_30 {offsets = [0, 0], sizes = [2, 512], strides = [1, 1]} : vector<8x512xf32> to vector<2x512xf32>
    %swap3A = arith.constant 0 : index
    %swap3A_32 = arith.constant 0 : index
    %swap3A_33 = arith.constant 0 : index
    %swap3A_34 = vector.load %arg3[%swap3A, %swap3A_32, %swap3A_33] : memref<32x2x512xf32, #tpu.memory_space<vmem>>, vector<1x2x512xf32>
    %swap3A_35 = vector.shape_cast %swap3A_34 : vector<1x2x512xf32> to vector<2x512xf32>
    %swap3A_36 = vector.shape_cast %slice3A_31 : vector<2x512xf32> to vector<1x2x512xf32>
    tpu.vector_store %arg3[%swap3A, %swap3A_32, %swap3A_33], %swap3A_36 {strides = array<i32>} : memref<32x2x512xf32, #tpu.memory_space<vmem>>, vector<1x2x512xf32>,
    %slice3A_37 = vector.extract_strided_slice %concatenate3A_24 {offsets = [0, 512], sizes = [8, 512], strides = [1, 1]} : vector<8x16384xbf16> to vector<8x512xbf16>
    %get3A_38 = arith.constant 0 : index
    %get3A_39 = arith.constant 512 : index
    %get3A_40 = vector.load %arg1[%get3A_38, %get3A_39] : memref<512x16384xbf16, #tpu.memory_space<vmem>>, vector<512x512xbf16>
    %dot_general3A_41 = arith.constant dense<0.000000e+00> : vector<8x512xf32>
    %dot_general3A_42 = tpu.matmul %slice3A_37, %get3A_40, %dot_general3A_41 {dimension_numbers = #tpu.dot_dimension_numbers<[1], [1], [0], [0], [0, 0, 1, 0], [], []>, transpose_lhs_hint = false} : vector<8x512xbf16>, vector<512x512xbf16>, vector<8x512xf32> -> vector<8x512xf32>
    %slice3A_43 = vector.extract_strided_slice %dot_general3A_42 {offsets = [0, 0], sizes = [2, 512], strides = [1, 1]} : vector<8x512xf32> to vector<2x512xf32>
    %swap3A_44 = arith.constant 1 : index
    %swap3A_45 = arith.constant 0 : index
    %swap3A_46 = arith.constant 0 : index
    %swap3A_47 = vector.load %arg3[%swap3A_44, %swap3A_45, %swap3A_46] : memref<32x2x512xf32, #tpu.memory_space<vmem>>, vector<1x2x512xf32>
    %swap3A_48 = vector.shape_cast %swap3A_47 : vector<1x2x512xf32> to vector<2x512xf32>
    %swap3A_49 = vector.shape_cast %slice3A_43 : vector<2x512xf32> to vector<1x2x512xf32>
    tpu.vector_store %arg3[%swap3A_44, %swap3A_45, %swap3A_46], %swap3A_49 {strides = array<i32>} : memref<32x2x512xf32, #tpu.memory_space<vmem>>, vector<1x2x512xf32>,
    %slice3A_50 = vector.extract_strided_slice %concatenate3A_24 {offsets = [0, 1024], sizes = [8, 512], strides = [1, 1]} : vector<8x16384xbf16> to vector<8x512xbf16>
    %get3A_51 = arith.constant 0 : index
    %get3A_52 = arith.constant 1024 : index
    %get3A_53 = vector.load %arg1[%get3A_51, %get3A_52] : memref<512x16384xbf16, #tpu.memory_space<vmem>>, vector<512x512xbf16>
    %dot_general3A_54 = arith.constant dense<0.000000e+00> : vector<8x512xf32>
    %dot_general3A_55 = tpu.matmul %slice3A_50, %get3A_53, %dot_general3A_54 {dimension_numbers = #tpu.dot_dimension_numbers<[1], [1], [0], [0], [0, 0, 1, 0], [], []>, transpose_lhs_hint = false} : vector<8x512xbf16>, vector<512x512xbf16>, vector<8x512xf32> -> vector<8x512xf32>
    %slice3A_56 = vector.extract_strided_slice %dot_general3A_55 {offsets = [0, 0], sizes = [2, 512], strides = [1, 1]} : vector<8x512xf32> to vector<2x512xf32>
    %swap3A_57 = arith.constant 2 : index
    %swap3A_58 = arith.constant 0 : index
    %swap3A_59 = arith.constant 0 : index
    %swap3A_60 = vector.load %arg3[%swap3A_57, %swap3A_58, %swap3A_59] : memref<32x2x512xf32, #tpu.memory_space<vmem>>, vector<1x2x512xf32>
    %swap3A_61 = vector.shape_cast %swap3A_60 : vector<1x2x512xf32> to vector<2x512xf32>
    %swap3A_62 = vector.shape_cast %slice3A_56 : vector<2x512xf32> to vector<1x2x512xf32>
    tpu.vector_store %arg3[%swap3A_57, %swap3A_58, %swap3A_59], %swap3A_62 {strides = array<i32>} : memref<32x2x512xf32, #tpu.memory_space<vmem>>, vector<1x2x512xf32>,
    %slice3A_63 = vector.extract_strided_slice %concatenate3A_24 {offsets = [0, 1536], sizes = [8, 512], strides = [1, 1]} : vector<8x16384xbf16> to vector<8x512xbf16>
    %get3A_64 = arith.constant 0 : index
    %get3A_65 = arith.constant 1536 : index
    %get3A_66 = vector.load %arg1[%get3A_64, %get3A_65] : memref<512x16384xbf16, #tpu.memory_space<vmem>>, vector<512x512xbf16>
    %dot_general3A_67 = arith.constant dense<0.000000e+00> : vector<8x512xf32>
    %dot_general3A_68 = tpu.matmul %slice3A_63, %get3A_66, %dot_general3A_67 {dimension_numbers = #tpu.dot_dimension_numbers<[1], [1], [0], [0], [0, 0, 1, 0], [], []>, transpose_lhs_hint = false} : vector<8x512xbf16>, vector<512x512xbf16>, vector<8x512xf32> -> vector<8x512xf32>
    %slice3A_69 = vector.extract_strided_slice %dot_general3A_68 {offsets = [0, 0], sizes = [2, 512], strides = [1, 1]} : vector<8x512xf32> to vector<2x512xf32>
    %swap3A_70 = arith.constant 3 : index
    %swap3A_71 = arith.constant 0 : index
    %swap3A_72 = arith.constant 0 : index
    %swap3A_73 = vector.load %arg3[%swap3A_70, %swap3A_71, %swap3A_72] : memref<32x2x512xf32, #tpu.memory_space<vmem>>, vector<1x2x512xf32>
    %swap3A_74 = vector.shape_cast %swap3A_73 : vector<1x2x512xf32> to vector<2x512xf32>
    %swap3A_75 = vector.shape_cast %slice3A_69 : vector<2x512xf32> to vector<1x2x512xf32>
    tpu.vector_store %arg3[%swap3A_70, %swap3A_71, %swap3A_72], %swap3A_75 {strides = array<i32>} : memref<32x2x512xf32, #tpu.memory_space<vmem>>, vector<1x2x512xf32>,
    %slice3A_76 = vector.extract_strided_slice %concatenate3A_24 {offsets = [0, 2048], sizes = [8, 512], strides = [1, 1]} : vector<8x16384xbf16> to vector<8x512xbf16>
    %get3A_77 = arith.constant 0 : index
    %get3A_78 = arith.constant 2048 : index
    %get3A_79 = vector.load %arg1[%get3A_77, %get3A_78] : memref<512x16384xbf16, #tpu.memory_space<vmem>>, vector<512x512xbf16>
    %dot_general3A_80 = arith.constant dense<0.000000e+00> : vector<8x512xf32>
    %dot_general3A_81 = tpu.matmul %slice3A_76, %get3A_79, %dot_general3A_80 {dimension_numbers = #tpu.dot_dimension_numbers<[1], [1], [0], [0], [0, 0, 1, 0], [], []>, transpose_lhs_hint = false} : vector<8x512xbf16>, vector<512x512xbf16>, vector<8x512xf32> -> vector<8x512xf32>
    %slice3A_82 = vector.extract_strided_slice %dot_general3A_81 {offsets = [0, 0], sizes = [2, 512], strides = [1, 1]} : vector<8x512xf32> to vector<2x512xf32>
    %swap3A_83 = arith.constant 4 : index
    %swap3A_84 = arith.constant 0 : index
    %swap3A_85 = arith.constant 0 : index
    %swap3A_86 = vector.load %arg3[%swap3A_83, %swap3A_84, %swap3A_85] : memref<32x2x512xf32, #tpu.memory_space<vmem>>, vector<1x2x512xf32>
    %swap3A_87 = vector.shape_cast %swap3A_86 : vector<1x2x512xf32> to vector<2x512xf32>
    %swap3A_88 = vector.shape_cast %slice3A_82 : vector<2x512xf32> to vector<1x2x512xf32>
    tpu.vector_store %arg3[%swap3A_83, %swap3A_84, %swap3A_85], %swap3A_88 {strides = array<i32>} : memref<32x2x512xf32, #tpu.memory_space<vmem>>, vector<1x2x512xf32>,
    %slice3A_89 = vector.extract_strided_slice %concatenate3A_24 {offsets = [0, 2560], sizes = [8, 512], strides = [1, 1]} : vector<8x16384xbf16> to vector<8x512xbf16>
    %get3A_90 = arith.constant 0 : index
    %get3A_91 = arith.constant 2560 : index
    %get3A_92 = vector.load %arg1[%get3A_90, %get3A_91] : memref<512x16384xbf16, #tpu.memory_space<vmem>>, vector<512x512xbf16>
    %dot_general3A_93 = arith.constant dense<0.000000e+00> : vector<8x512xf32>
    %dot_general3A_94 = tpu.matmul %slice3A_89, %get3A_92, %dot_general3A_93 {dimension_numbers = #tpu.dot_dimension_numbers<[1], [1], [0], [0], [0, 0, 1, 0], [], []>, transpose_lhs_hint = false} : vector<8x512xbf16>, vector<512x512xbf16>, vector<8x512xf32> -> vector<8x512xf32>
    %slice3A_95 = vector.extract_strided_slice %dot_general3A_94 {offsets = [0, 0], sizes = [2, 512], strides = [1, 1]} : vector<8x512xf32> to vector<2x512xf32>
    %swap3A_96 = arith.constant 5 : index
    %swap3A_97 = arith.constant 0 : index
    %swap3A_98 = arith.constant 0 : index
    %swap3A_99 = vector.load %arg3[%swap3A_96, %swap3A_97, %swap3A_98] : memref<32x2x512xf32, #tpu.memory_space<vmem>>, vector<1x2x512xf32>
    %swap3A_100 = vector.shape_cast %swap3A_99 : vector<1x2x512xf32> to vector<2x512xf32>
    %swap3A_101 = vector.shape_cast %slice3A_95 : vector<2x512xf32> to vector<1x2x512xf32>
    tpu.vector_store %arg3[%swap3A_96, %swap3A_97, %swap3A_98], %swap3A_101 {strides = array<i32>} : memref<32x2x512xf32, #tpu.memory_space<vmem>>, vector<1x2x512xf32>,
    %slice3A_102 = vector.extract_strided_slice %concatenate3A_24 {offsets = [0, 3072], sizes = [8, 512], strides = [1, 1]} : vector<8x16384xbf16> to vector<8x512xbf16>
    %get3A_103 = arith.constant 0 : index
    %get3A_104 = arith.constant 3072 : index
    %get3A_105 = vector.load %arg1[%get3A_103, %get3A_104] : memref<512x16384xbf16, #tpu.memory_space<vmem>>, vector<512x512xbf16>
    %dot_general3A_106 = arith.constant dense<0.000000e+00> : vector<8x512xf32>
    %dot_general3A_107 = tpu.matmul %slice3A_102, %get3A_105, %dot_general3A_106 {dimension_numbers = #tpu.dot_dimension_numbers<[1], [1], [0], [0], [0, 0, 1, 0], [], []>, transpose_lhs_hint = false} : vector<8x512xbf16>, vector<512x512xbf16>, vector<8x512xf32> -> vector<8x512xf32>
    %slice3A_108 = vector.extract_strided_slice %dot_general3A_107 {offsets = [0, 0], sizes = [2, 512], strides = [1, 1]} : vector<8x512xf32> to vector<2x512xf32>
    %swap3A_109 = arith.constant 6 : index
    %swap3A_110 = arith.constant 0 : index
    %swap3A_111 = arith.constant 0 : index
    %swap3A_112 = vector.load %arg3[%swap3A_109, %swap3A_110, %swap3A_111] : memref<32x2x512xf32, #tpu.memory_space<vmem>>, vector<1x2x512xf32>
    %swap3A_113 = vector.shape_cast %swap3A_112 : vector<1x2x512xf32> to vector<2x512xf32>
    %swap3A_114 = vector.shape_cast %slice3A_108 : vector<2x512xf32> to vector<1x2x512xf32>
    tpu.vector_store %arg3[%swap3A_109, %swap3A_110, %swap3A_111], %swap3A_114 {strides = array<i32>} : memref<32x2x512xf32, #tpu.memory_space<vmem>>, vector<1x2x512xf32>,
    %slice3A_115 = vector.extract_strided_slice %concatenate3A_24 {offsets = [0, 3584], sizes = [8, 512], strides = [1, 1]} : vector<8x16384xbf16> to vector<8x512xbf16>
    %get3A_116 = arith.constant 0 : index
    %get3A_117 = arith.constant 3584 : index
    %get3A_118 = vector.load %arg1[%get3A_116, %get3A_117] : memref<512x16384xbf16, #tpu.memory_space<vmem>>, vector<512x512xbf16>
    %dot_general3A_119 = arith.constant dense<0.000000e+00> : vector<8x512xf32>
    %dot_general3A_120 = tpu.matmul %slice3A_115, %get3A_118, %dot_general3A_119 {dimension_numbers = #tpu.dot_dimension_numbers<[1], [1], [0], [0], [0, 0, 1, 0], [], []>, transpose_lhs_hint = false} : vector<8x512xbf16>, vector<512x512xbf16>, vector<8x512xf32> -> vector<8x512xf32>
    %slice3A_121 = vector.extract_strided_slice %dot_general3A_120 {offsets = [0, 0], sizes = [2, 512], strides = [1, 1]} : vector<8x512xf32> to vector<2x512xf32>
    %swap3A_122 = arith.constant 7 : index
    %swap3A_123 = arith.constant 0 : index
    %swap3A_124 = arith.constant 0 : index
    %swap3A_125 = vector.load %arg3[%swap3A_122, %swap3A_123, %swap3A_124] : memref<32x2x512xf32, #tpu.memory_space<vmem>>, vector<1x2x512xf32>
    %swap3A_126 = vector.shape_cast %swap3A_125 : vector<1x2x512xf32> to vector<2x512xf32>
    %swap3A_127 = vector.shape_cast %slice3A_121 : vector<2x512xf32> to vector<1x2x512xf32>
    tpu.vector_store %arg3[%swap3A_122, %swap3A_123, %swap3A_124], %swap3A_127 {strides = array<i32>} : memref<32x2x512xf32, #tpu.memory_space<vmem>>, vector<1x2x512xf32>,
    %slice3A_128 = vector.extract_strided_slice %concatenate3A_24 {offsets = [0, 4096], sizes = [8, 512], strides = [1, 1]} : vector<8x16384xbf16> to vector<8x512xbf16>
    %get3A_129 = arith.constant 0 : index
    %get3A_130 = arith.constant 4096 : index
    %get3A_131 = vector.load %arg1[%get3A_129, %get3A_130] : memref<512x16384xbf16, #tpu.memory_space<vmem>>, vector<512x512xbf16>
    %dot_general3A_132 = arith.constant dense<0.000000e+00> : vector<8x512xf32>
    %dot_general3A_133 = tpu.matmul %slice3A_128, %get3A_131, %dot_general3A_132 {dimension_numbers = #tpu.dot_dimension_numbers<[1], [1], [0], [0], [0, 0, 1, 0], [], []>, transpose_lhs_hint = false} : vector<8x512xbf16>, vector<512x512xbf16>, vector<8x512xf32> -> vector<8x512xf32>
    %slice3A_134 = vector.extract_strided_slice %dot_general3A_133 {offsets = [0, 0], sizes = [2, 512], strides = [1, 1]} : vector<8x512xf32> to vector<2x512xf32>
    %swap3A_135 = arith.constant 8 : index
    %swap3A_136 = arith.constant 0 : index
    %swap3A_137 = arith.constant 0 : index
    %swap3A_138 = vector.load %arg3[%swap3A_135, %swap3A_136, %swap3A_137] : memref<32x2x512xf32, #tpu.memory_space<vmem>>, vector<1x2x512xf32>
    %swap3A_139 = vector.shape_cast %swap3A_138 : vector<1x2x512xf32> to vector<2x512xf32>
    %swap3A_140 = vector.shape_cast %slice3A_134 : vector<2x512xf32> to vector<1x2x512xf32>
    tpu.vector_store %arg3[%swap3A_135, %swap3A_136, %swap3A_137], %swap3A_140 {strides = array<i32>} : memref<32x2x512xf32, #tpu.memory_space<vmem>>, vector<1x2x512xf32>,
    %slice3A_141 = vector.extract_strided_slice %concatenate3A_24 {offsets = [0, 4608], sizes = [8, 512], strides = [1, 1]} : vector<8x16384xbf16> to vector<8x512xbf16>
    %get3A_142 = arith.constant 0 : index
    %get3A_143 = arith.constant 4608 : index
    %get3A_144 = vector.load %arg1[%get3A_142, %get3A_143] : memref<512x16384xbf16, #tpu.memory_space<vmem>>, vector<512x512xbf16>
    %dot_general3A_145 = arith.constant dense<0.000000e+00> : vector<8x512xf32>
    %dot_general3A_146 = tpu.matmul %slice3A_141, %get3A_144, %dot_general3A_145 {dimension_numbers = #tpu.dot_dimension_numbers<[1], [1], [0], [0], [0, 0, 1, 0], [], []>, transpose_lhs_hint = false} : vector<8x512xbf16>, vector<512x512xbf16>, vector<8x512xf32> -> vector<8x512xf32>
    %slice3A_147 = vector.extract_strided_slice %dot_general3A_146 {offsets = [0, 0], sizes = [2, 512], strides = [1, 1]} : vector<8x512xf32> to vector<2x512xf32>
    %swap3A_148 = arith.constant 9 : index
    %swap3A_149 = arith.constant 0 : index
    %swap3A_150 = arith.constant 0 : index
    %swap3A_151 = vector.load %arg3[%swap3A_148, %swap3A_149, %swap3A_150] : memref<32x2x512xf32, #tpu.memory_space<vmem>>, vector<1x2x512xf32>
    %swap3A_152 = vector.shape_cast %swap3A_151 : vector<1x2x512xf32> to vector<2x512xf32>
    %swap3A_153 = vector.shape_cast %slice3A_147 : vector<2x512xf32> to vector<1x2x512xf32>
    tpu.vector_store %arg3[%swap3A_148, %swap3A_149, %swap3A_150], %swap3A_153 {strides = array<i32>} : memref<32x2x512xf32, #tpu.memory_space<vmem>>, vector<1x2x512xf32>,
    %slice3A_154 = vector.extract_strided_slice %concatenate3A_24 {offsets = [0, 5120], sizes = [8, 512], strides = [1, 1]} : vector<8x16384xbf16> to vector<8x512xbf16>
    %get3A_155 = arith.constant 0 : index
    %get3A_156 = arith.constant 5120 : index
    %get3A_157 = vector.load %arg1[%get3A_155, %get3A_156] : memref<512x16384xbf16, #tpu.memory_space<vmem>>, vector<512x512xbf16>
    %dot_general3A_158 = arith.constant dense<0.000000e+00> : vector<8x512xf32>
    %dot_general3A_159 = tpu.matmul %slice3A_154, %get3A_157, %dot_general3A_158 {dimension_numbers = #tpu.dot_dimension_numbers<[1], [1], [0], [0], [0, 0, 1, 0], [], []>, transpose_lhs_hint = false} : vector<8x512xbf16>, vector<512x512xbf16>, vector<8x512xf32> -> vector<8x512xf32>
    %slice3A_160 = vector.extract_strided_slice %dot_general3A_159 {offsets = [0, 0], sizes = [2, 512], strides = [1, 1]} : vector<8x512xf32> to vector<2x512xf32>
    %swap3A_161 = arith.constant 10 : index
    %swap3A_162 = arith.constant 0 : index
    %swap3A_163 = arith.constant 0 : index
    %swap3A_164 = vector.load %arg3[%swap3A_161, %swap3A_162, %swap3A_163] : memref<32x2x512xf32, #tpu.memory_space<vmem>>, vector<1x2x512xf32>
    %swap3A_165 = vector.shape_cast %swap3A_164 : vector<1x2x512xf32> to vector<2x512xf32>
    %swap3A_166 = vector.shape_cast %slice3A_160 : vector<2x512xf32> to vector<1x2x512xf32>
    tpu.vector_store %arg3[%swap3A_161, %swap3A_162, %swap3A_163], %swap3A_166 {strides = array<i32>} : memref<32x2x512xf32, #tpu.memory_space<vmem>>, vector<1x2x512xf32>,
    %slice3A_167 = vector.extract_strided_slice %concatenate3A_24 {offsets = [0, 5632], sizes = [8, 512], strides = [1, 1]} : vector<8x16384xbf16> to vector<8x512xbf16>
    %get3A_168 = arith.constant 0 : index
    %get3A_169 = arith.constant 5632 : index
    %get3A_170 = vector.load %arg1[%get3A_168, %get3A_169] : memref<512x16384xbf16, #tpu.memory_space<vmem>>, vector<512x512xbf16>
    %dot_general3A_171 = arith.constant dense<0.000000e+00> : vector<8x512xf32>
    %dot_general3A_172 = tpu.matmul %slice3A_167, %get3A_170, %dot_general3A_171 {dimension_numbers = #tpu.dot_dimension_numbers<[1], [1], [0], [0], [0, 0, 1, 0], [], []>, transpose_lhs_hint = false} : vector<8x512xbf16>, vector<512x512xbf16>, vector<8x512xf32> -> vector<8x512xf32>
    %slice3A_173 = vector.extract_strided_slice %dot_general3A_172 {offsets = [0, 0], sizes = [2, 512], strides = [1, 1]} : vector<8x512xf32> to vector<2x512xf32>
    %swap3A_174 = arith.constant 11 : index
    %swap3A_175 = arith.constant 0 : index
    %swap3A_176 = arith.constant 0 : index
    %swap3A_177 = vector.load %arg3[%swap3A_174, %swap3A_175, %swap3A_176] : memref<32x2x512xf32, #tpu.memory_space<vmem>>, vector<1x2x512xf32>
    %swap3A_178 = vector.shape_cast %swap3A_177 : vector<1x2x512xf32> to vector<2x512xf32>
    %swap3A_179 = vector.shape_cast %slice3A_173 : vector<2x512xf32> to vector<1x2x512xf32>
    tpu.vector_store %arg3[%swap3A_174, %swap3A_175, %swap3A_176], %swap3A_179 {strides = array<i32>} : memref<32x2x512xf32, #tpu.memory_space<vmem>>, vector<1x2x512xf32>,
    %slice3A_180 = vector.extract_strided_slice %concatenate3A_24 {offsets = [0, 6144], sizes = [8, 512], strides = [1, 1]} : vector<8x16384xbf16> to vector<8x512xbf16>
    %get3A_181 = arith.constant 0 : index
    %get3A_182 = arith.constant 6144 : index
    %get3A_183 = vector.load %arg1[%get3A_181, %get3A_182] : memref<512x16384xbf16, #tpu.memory_space<vmem>>, vector<512x512xbf16>
    %dot_general3A_184 = arith.constant dense<0.000000e+00> : vector<8x512xf32>
    %dot_general3A_185 = tpu.matmul %slice3A_180, %get3A_183, %dot_general3A_184 {dimension_numbers = #tpu.dot_dimension_numbers<[1], [1], [0], [0], [0, 0, 1, 0], [], []>, transpose_lhs_hint = false} : vector<8x512xbf16>, vector<512x512xbf16>, vector<8x512xf32> -> vector<8x512xf32>
    %slice3A_186 = vector.extract_strided_slice %dot_general3A_185 {offsets = [0, 0], sizes = [2, 512], strides = [1, 1]} : vector<8x512xf32> to vector<2x512xf32>
    %swap3A_187 = arith.constant 12 : index
    %swap3A_188 = arith.constant 0 : index
    %swap3A_189 = arith.constant 0 : index
    %swap3A_190 = vector.load %arg3[%swap3A_187, %swap3A_188, %swap3A_189] : memref<32x2x512xf32, #tpu.memory_space<vmem>>, vector<1x2x512xf32>
    %swap3A_191 = vector.shape_cast %swap3A_190 : vector<1x2x512xf32> to vector<2x512xf32>
    %swap3A_192 = vector.shape_cast %slice3A_186 : vector<2x512xf32> to vector<1x2x512xf32>
    tpu.vector_store %arg3[%swap3A_187, %swap3A_188, %swap3A_189], %swap3A_192 {strides = array<i32>} : memref<32x2x512xf32, #tpu.memory_space<vmem>>, vector<1x2x512xf32>,
    %slice3A_193 = vector.extract_strided_slice %concatenate3A_24 {offsets = [0, 6656], sizes = [8, 512], strides = [1, 1]} : vector<8x16384xbf16> to vector<8x512xbf16>
    %get3A_194 = arith.constant 0 : index
    %get3A_195 = arith.constant 6656 : index
    %get3A_196 = vector.load %arg1[%get3A_194, %get3A_195] : memref<512x16384xbf16, #tpu.memory_space<vmem>>, vector<512x512xbf16>
    %dot_general3A_197 = arith.constant dense<0.000000e+00> : vector<8x512xf32>
    %dot_general3A_198 = tpu.matmul %slice3A_193, %get3A_196, %dot_general3A_197 {dimension_numbers = #tpu.dot_dimension_numbers<[1], [1], [0], [0], [0, 0, 1, 0], [], []>, transpose_lhs_hint = false} : vector<8x512xbf16>, vector<512x512xbf16>, vector<8x512xf32> -> vector<8x512xf32>
    %slice3A_199 = vector.extract_strided_slice %dot_general3A_198 {offsets = [0, 0], sizes = [2, 512], strides = [1, 1]} : vector<8x512xf32> to vector<2x512xf32>
    %swap3A_200 = arith.constant 13 : index
    %swap3A_201 = arith.constant 0 : index
    %swap3A_202 = arith.constant 0 : index
    %swap3A_203 = vector.load %arg3[%swap3A_200, %swap3A_201, %swap3A_202] : memref<32x2x512xf32, #tpu.memory_space<vmem>>, vector<1x2x512xf32>
    %swap3A_204 = vector.shape_cast %swap3A_203 : vector<1x2x512xf32> to vector<2x512xf32>
    %swap3A_205 = vector.shape_cast %slice3A_199 : vector<2x512xf32> to vector<1x2x512xf32>
    tpu.vector_store %arg3[%swap3A_200, %swap3A_201, %swap3A_202], %swap3A_205 {strides = array<i32>} : memref<32x2x512xf32, #tpu.memory_space<vmem>>, vector<1x2x512xf32>,
    %slice3A_206 = vector.extract_strided_slice %concatenate3A_24 {offsets = [0, 7168], sizes = [8, 512], strides = [1, 1]} : vector<8x16384xbf16> to vector<8x512xbf16>
    %get3A_207 = arith.constant 0 : index
    %get3A_208 = arith.constant 7168 : index
    %get3A_209 = vector.load %arg1[%get3A_207, %get3A_208] : memref<512x16384xbf16, #tpu.memory_space<vmem>>, vector<512x512xbf16>
    %dot_general3A_210 = arith.constant dense<0.000000e+00> : vector<8x512xf32>
    %dot_general3A_211 = tpu.matmul %slice3A_206, %get3A_209, %dot_general3A_210 {dimension_numbers = #tpu.dot_dimension_numbers<[1], [1], [0], [0], [0, 0, 1, 0], [], []>, transpose_lhs_hint = false} : vector<8x512xbf16>, vector<512x512xbf16>, vector<8x512xf32> -> vector<8x512xf32>
    %slice3A_212 = vector.extract_strided_slice %dot_general3A_211 {offsets = [0, 0], sizes = [2, 512], strides = [1, 1]} : vector<8x512xf32> to vector<2x512xf32>
    %swap3A_213 = arith.constant 14 : index
    %swap3A_214 = arith.constant 0 : index
    %swap3A_215 = arith.constant 0 : index
    %swap3A_216 = vector.load %arg3[%swap3A_213, %swap3A_214, %swap3A_215] : memref<32x2x512xf32, #tpu.memory_space<vmem>>, vector<1x2x512xf32>
    %swap3A_217 = vector.shape_cast %swap3A_216 : vector<1x2x512xf32> to vector<2x512xf32>
    %swap3A_218 = vector.shape_cast %slice3A_212 : vector<2x512xf32> to vector<1x2x512xf32>
    tpu.vector_store %arg3[%swap3A_213, %swap3A_214, %swap3A_215], %swap3A_218 {strides = array<i32>} : memref<32x2x512xf32, #tpu.memory_space<vmem>>, vector<1x2x512xf32>,
    %slice3A_219 = vector.extract_strided_slice %concatenate3A_24 {offsets = [0, 7680], sizes = [8, 512], strides = [1, 1]} : vector<8x16384xbf16> to vector<8x512xbf16>
    %get3A_220 = arith.constant 0 : index
    %get3A_221 = arith.constant 7680 : index
    %get3A_222 = vector.load %arg1[%get3A_220, %get3A_221] : memref<512x16384xbf16, #tpu.memory_space<vmem>>, vector<512x512xbf16>
    %dot_general3A_223 = arith.constant dense<0.000000e+00> : vector<8x512xf32>
    %dot_general3A_224 = tpu.matmul %slice3A_219, %get3A_222, %dot_general3A_223 {dimension_numbers = #tpu.dot_dimension_numbers<[1], [1], [0], [0], [0, 0, 1, 0], [], []>, transpose_lhs_hint = false} : vector<8x512xbf16>, vector<512x512xbf16>, vector<8x512xf32> -> vector<8x512xf32>
    %slice3A_225 = vector.extract_strided_slice %dot_general3A_224 {offsets = [0, 0], sizes = [2, 512], strides = [1, 1]} : vector<8x512xf32> to vector<2x512xf32>
    %swap3A_226 = arith.constant 15 : index
    %swap3A_227 = arith.constant 0 : index
    %swap3A_228 = arith.constant 0 : index
    %swap3A_229 = vector.load %arg3[%swap3A_226, %swap3A_227, %swap3A_228] : memref<32x2x512xf32, #tpu.memory_space<vmem>>, vector<1x2x512xf32>
    %swap3A_230 = vector.shape_cast %swap3A_229 : vector<1x2x512xf32> to vector<2x512xf32>
    %swap3A_231 = vector.shape_cast %slice3A_225 : vector<2x512xf32> to vector<1x2x512xf32>
    tpu.vector_store %arg3[%swap3A_226, %swap3A_227, %swap3A_228], %swap3A_231 {strides = array<i32>} : memref<32x2x512xf32, #tpu.memory_space<vmem>>, vector<1x2x512xf32>,
    %slice3A_232 = vector.extract_strided_slice %concatenate3A_24 {offsets = [0, 8192], sizes = [8, 512], strides = [1, 1]} : vector<8x16384xbf16> to vector<8x512xbf16>
    %get3A_233 = arith.constant 0 : index
    %get3A_234 = arith.constant 8192 : index
    %get3A_235 = vector.load %arg1[%get3A_233, %get3A_234] : memref<512x16384xbf16, #tpu.memory_space<vmem>>, vector<512x512xbf16>
    %dot_general3A_236 = arith.constant dense<0.000000e+00> : vector<8x512xf32>
    %dot_general3A_237 = tpu.matmul %slice3A_232, %get3A_235, %dot_general3A_236 {dimension_numbers = #tpu.dot_dimension_numbers<[1], [1], [0], [0], [0, 0, 1, 0], [], []>, transpose_lhs_hint = false} : vector<8x512xbf16>, vector<512x512xbf16>, vector<8x512xf32> -> vector<8x512xf32>
    %slice3A_238 = vector.extract_strided_slice %dot_general3A_237 {offsets = [0, 0], sizes = [2, 512], strides = [1, 1]} : vector<8x512xf32> to vector<2x512xf32>
    %swap3A_239 = arith.constant 16 : index
    %swap3A_240 = arith.constant 0 : index
    %swap3A_241 = arith.constant 0 : index
    %swap3A_242 = vector.load %arg3[%swap3A_239, %swap3A_240, %swap3A_241] : memref<32x2x512xf32, #tpu.memory_space<vmem>>, vector<1x2x512xf32>
    %swap3A_243 = vector.shape_cast %swap3A_242 : vector<1x2x512xf32> to vector<2x512xf32>
    %swap3A_244 = vector.shape_cast %slice3A_238 : vector<2x512xf32> to vector<1x2x512xf32>
    tpu.vector_store %arg3[%swap3A_239, %swap3A_240, %swap3A_241], %swap3A_244 {strides = array<i32>} : memref<32x2x512xf32, #tpu.memory_space<vmem>>, vector<1x2x512xf32>,
    %slice3A_245 = vector.extract_strided_slice %concatenate3A_24 {offsets = [0, 8704], sizes = [8, 512], strides = [1, 1]} : vector<8x16384xbf16> to vector<8x512xbf16>
    %get3A_246 = arith.constant 0 : index
    %get3A_247 = arith.constant 8704 : index
    %get3A_248 = vector.load %arg1[%get3A_246, %get3A_247] : memref<512x16384xbf16, #tpu.memory_space<vmem>>, vector<512x512xbf16>
    %dot_general3A_249 = arith.constant dense<0.000000e+00> : vector<8x512xf32>
    %dot_general3A_250 = tpu.matmul %slice3A_245, %get3A_248, %dot_general3A_249 {dimension_numbers = #tpu.dot_dimension_numbers<[1], [1], [0], [0], [0, 0, 1, 0], [], []>, transpose_lhs_hint = false} : vector<8x512xbf16>, vector<512x512xbf16>, vector<8x512xf32> -> vector<8x512xf32>
    %slice3A_251 = vector.extract_strided_slice %dot_general3A_250 {offsets = [0, 0], sizes = [2, 512], strides = [1, 1]} : vector<8x512xf32> to vector<2x512xf32>
    %swap3A_252 = arith.constant 17 : index
    %swap3A_253 = arith.constant 0 : index
    %swap3A_254 = arith.constant 0 : index
    %swap3A_255 = vector.load %arg3[%swap3A_252, %swap3A_253, %swap3A_254] : memref<32x2x512xf32, #tpu.memory_space<vmem>>, vector<1x2x512xf32>
    %swap3A_256 = vector.shape_cast %swap3A_255 : vector<1x2x512xf32> to vector<2x512xf32>
    %swap3A_257 = vector.shape_cast %slice3A_251 : vector<2x512xf32> to vector<1x2x512xf32>
    tpu.vector_store %arg3[%swap3A_252, %swap3A_253, %swap3A_254], %swap3A_257 {strides = array<i32>} : memref<32x2x512xf32, #tpu.memory_space<vmem>>, vector<1x2x512xf32>,
    %slice3A_258 = vector.extract_strided_slice %concatenate3A_24 {offsets = [0, 9216], sizes = [8, 512], strides = [1, 1]} : vector<8x16384xbf16> to vector<8x512xbf16>
    %get3A_259 = arith.constant 0 : index
    %get3A_260 = arith.constant 9216 : index
    %get3A_261 = vector.load %arg1[%get3A_259, %get3A_260] : memref<512x16384xbf16, #tpu.memory_space<vmem>>, vector<512x512xbf16>
    %dot_general3A_262 = arith.constant dense<0.000000e+00> : vector<8x512xf32>
    %dot_general3A_263 = tpu.matmul %slice3A_258, %get3A_261, %dot_general3A_262 {dimension_numbers = #tpu.dot_dimension_numbers<[1], [1], [0], [0], [0, 0, 1, 0], [], []>, transpose_lhs_hint = false} : vector<8x512xbf16>, vector<512x512xbf16>, vector<8x512xf32> -> vector<8x512xf32>
    %slice3A_264 = vector.extract_strided_slice %dot_general3A_263 {offsets = [0, 0], sizes = [2, 512], strides = [1, 1]} : vector<8x512xf32> to vector<2x512xf32>
    %swap3A_265 = arith.constant 18 : index
    %swap3A_266 = arith.constant 0 : index
    %swap3A_267 = arith.constant 0 : index
    %swap3A_268 = vector.load %arg3[%swap3A_265, %swap3A_266, %swap3A_267] : memref<32x2x512xf32, #tpu.memory_space<vmem>>, vector<1x2x512xf32>
    %swap3A_269 = vector.shape_cast %swap3A_268 : vector<1x2x512xf32> to vector<2x512xf32>
    %swap3A_270 = vector.shape_cast %slice3A_264 : vector<2x512xf32> to vector<1x2x512xf32>
    tpu.vector_store %arg3[%swap3A_265, %swap3A_266, %swap3A_267], %swap3A_270 {strides = array<i32>} : memref<32x2x512xf32, #tpu.memory_space<vmem>>, vector<1x2x512xf32>,
    %slice3A_271 = vector.extract_strided_slice %concatenate3A_24 {offsets = [0, 9728], sizes = [8, 512], strides = [1, 1]} : vector<8x16384xbf16> to vector<8x512xbf16>
    %get3A_272 = arith.constant 0 : index
    %get3A_273 = arith.constant 9728 : index
    %get3A_274 = vector.load %arg1[%get3A_272, %get3A_273] : memref<512x16384xbf16, #tpu.memory_space<vmem>>, vector<512x512xbf16>
    %dot_general3A_275 = arith.constant dense<0.000000e+00> : vector<8x512xf32>
    %dot_general3A_276 = tpu.matmul %slice3A_271, %get3A_274, %dot_general3A_275 {dimension_numbers = #tpu.dot_dimension_numbers<[1], [1], [0], [0], [0, 0, 1, 0], [], []>, transpose_lhs_hint = false} : vector<8x512xbf16>, vector<512x512xbf16>, vector<8x512xf32> -> vector<8x512xf32>
    %slice3A_277 = vector.extract_strided_slice %dot_general3A_276 {offsets = [0, 0], sizes = [2, 512], strides = [1, 1]} : vector<8x512xf32> to vector<2x512xf32>
    %swap3A_278 = arith.constant 19 : index
    %swap3A_279 = arith.constant 0 : index
    %swap3A_280 = arith.constant 0 : index
    %swap3A_281 = vector.load %arg3[%swap3A_278, %swap3A_279, %swap3A_280] : memref<32x2x512xf32, #tpu.memory_space<vmem>>, vector<1x2x512xf32>
    %swap3A_282 = vector.shape_cast %swap3A_281 : vector<1x2x512xf32> to vector<2x512xf32>
    %swap3A_283 = vector.shape_cast %slice3A_277 : vector<2x512xf32> to vector<1x2x512xf32>
    tpu.vector_store %arg3[%swap3A_278, %swap3A_279, %swap3A_280], %swap3A_283 {strides = array<i32>} : memref<32x2x512xf32, #tpu.memory_space<vmem>>, vector<1x2x512xf32>,
    %slice3A_284 = vector.extract_strided_slice %concatenate3A_24 {offsets = [0, 10240], sizes = [8, 512], strides = [1, 1]} : vector<8x16384xbf16> to vector<8x512xbf16>
    %get3A_285 = arith.constant 0 : index
    %get3A_286 = arith.constant 10240 : index
    %get3A_287 = vector.load %arg1[%get3A_285, %get3A_286] : memref<512x16384xbf16, #tpu.memory_space<vmem>>, vector<512x512xbf16>
    %dot_general3A_288 = arith.constant dense<0.000000e+00> : vector<8x512xf32>
    %dot_general3A_289 = tpu.matmul %slice3A_284, %get3A_287, %dot_general3A_288 {dimension_numbers = #tpu.dot_dimension_numbers<[1], [1], [0], [0], [0, 0, 1, 0], [], []>, transpose_lhs_hint = false} : vector<8x512xbf16>, vector<512x512xbf16>, vector<8x512xf32> -> vector<8x512xf32>
    %slice3A_290 = vector.extract_strided_slice %dot_general3A_289 {offsets = [0, 0], sizes = [2, 512], strides = [1, 1]} : vector<8x512xf32> to vector<2x512xf32>
    %swap3A_291 = arith.constant 20 : index
    %swap3A_292 = arith.constant 0 : index
    %swap3A_293 = arith.constant 0 : index
    %swap3A_294 = vector.load %arg3[%swap3A_291, %swap3A_292, %swap3A_293] : memref<32x2x512xf32, #tpu.memory_space<vmem>>, vector<1x2x512xf32>
    %swap3A_295 = vector.shape_cast %swap3A_294 : vector<1x2x512xf32> to vector<2x512xf32>
    %swap3A_296 = vector.shape_cast %slice3A_290 : vector<2x512xf32> to vector<1x2x512xf32>
    tpu.vector_store %arg3[%swap3A_291, %swap3A_292, %swap3A_293], %swap3A_296 {strides = array<i32>} : memref<32x2x512xf32, #tpu.memory_space<vmem>>, vector<1x2x512xf32>,
    %slice3A_297 = vector.extract_strided_slice %concatenate3A_24 {offsets = [0, 10752], sizes = [8, 512], strides = [1, 1]} : vector<8x16384xbf16> to vector<8x512xbf16>
    %get3A_298 = arith.constant 0 : index
    %get3A_299 = arith.constant 10752 : index
    %get3A_300 = vector.load %arg1[%get3A_298, %get3A_299] : memref<512x16384xbf16, #tpu.memory_space<vmem>>, vector<512x512xbf16>
    %dot_general3A_301 = arith.constant dense<0.000000e+00> : vector<8x512xf32>
    %dot_general3A_302 = tpu.matmul %slice3A_297, %get3A_300, %dot_general3A_301 {dimension_numbers = #tpu.dot_dimension_numbers<[1], [1], [0], [0], [0, 0, 1, 0], [], []>, transpose_lhs_hint = false} : vector<8x512xbf16>, vector<512x512xbf16>, vector<8x512xf32> -> vector<8x512xf32>
    %slice3A_303 = vector.extract_strided_slice %dot_general3A_302 {offsets = [0, 0], sizes = [2, 512], strides = [1, 1]} : vector<8x512xf32> to vector<2x512xf32>
    %swap3A_304 = arith.constant 21 : index
    %swap3A_305 = arith.constant 0 : index
    %swap3A_306 = arith.constant 0 : index
    %swap3A_307 = vector.load %arg3[%swap3A_304, %swap3A_305, %swap3A_306] : memref<32x2x512xf32, #tpu.memory_space<vmem>>, vector<1x2x512xf32>
    %swap3A_308 = vector.shape_cast %swap3A_307 : vector<1x2x512xf32> to vector<2x512xf32>
    %swap3A_309 = vector.shape_cast %slice3A_303 : vector<2x512xf32> to vector<1x2x512xf32>
    tpu.vector_store %arg3[%swap3A_304, %swap3A_305, %swap3A_306], %swap3A_309 {strides = array<i32>} : memref<32x2x512xf32, #tpu.memory_space<vmem>>, vector<1x2x512xf32>,
    %slice3A_310 = vector.extract_strided_slice %concatenate3A_24 {offsets = [0, 11264], sizes = [8, 512], strides = [1, 1]} : vector<8x16384xbf16> to vector<8x512xbf16>
    %get3A_311 = arith.constant 0 : index
    %get3A_312 = arith.constant 11264 : index
    %get3A_313 = vector.load %arg1[%get3A_311, %get3A_312] : memref<512x16384xbf16, #tpu.memory_space<vmem>>, vector<512x512xbf16>
    %dot_general3A_314 = arith.constant dense<0.000000e+00> : vector<8x512xf32>
    %dot_general3A_315 = tpu.matmul %slice3A_310, %get3A_313, %dot_general3A_314 {dimension_numbers = #tpu.dot_dimension_numbers<[1], [1], [0], [0], [0, 0, 1, 0], [], []>, transpose_lhs_hint = false} : vector<8x512xbf16>, vector<512x512xbf16>, vector<8x512xf32> -> vector<8x512xf32>
    %slice3A_316 = vector.extract_strided_slice %dot_general3A_315 {offsets = [0, 0], sizes = [2, 512], strides = [1, 1]} : vector<8x512xf32> to vector<2x512xf32>
    %swap3A_317 = arith.constant 22 : index
    %swap3A_318 = arith.constant 0 : index
    %swap3A_319 = arith.constant 0 : index
    %swap3A_320 = vector.load %arg3[%swap3A_317, %swap3A_318, %swap3A_319] : memref<32x2x512xf32, #tpu.memory_space<vmem>>, vector<1x2x512xf32>
    %swap3A_321 = vector.shape_cast %swap3A_320 : vector<1x2x512xf32> to vector<2x512xf32>
    %swap3A_322 = vector.shape_cast %slice3A_316 : vector<2x512xf32> to vector<1x2x512xf32>
    tpu.vector_store %arg3[%swap3A_317, %swap3A_318, %swap3A_319], %swap3A_322 {strides = array<i32>} : memref<32x2x512xf32, #tpu.memory_space<vmem>>, vector<1x2x512xf32>,
    %slice3A_323 = vector.extract_strided_slice %concatenate3A_24 {offsets = [0, 11776], sizes = [8, 512], strides = [1, 1]} : vector<8x16384xbf16> to vector<8x512xbf16>
    %get3A_324 = arith.constant 0 : index
    %get3A_325 = arith.constant 11776 : index
    %get3A_326 = vector.load %arg1[%get3A_324, %get3A_325] : memref<512x16384xbf16, #tpu.memory_space<vmem>>, vector<512x512xbf16>
    %dot_general3A_327 = arith.constant dense<0.000000e+00> : vector<8x512xf32>
    %dot_general3A_328 = tpu.matmul %slice3A_323, %get3A_326, %dot_general3A_327 {dimension_numbers = #tpu.dot_dimension_numbers<[1], [1], [0], [0], [0, 0, 1, 0], [], []>, transpose_lhs_hint = false} : vector<8x512xbf16>, vector<512x512xbf16>, vector<8x512xf32> -> vector<8x512xf32>
    %slice3A_329 = vector.extract_strided_slice %dot_general3A_328 {offsets = [0, 0], sizes = [2, 512], strides = [1, 1]} : vector<8x512xf32> to vector<2x512xf32>
    %swap3A_330 = arith.constant 23 : index
    %swap3A_331 = arith.constant 0 : index
    %swap3A_332 = arith.constant 0 : index
    %swap3A_333 = vector.load %arg3[%swap3A_330, %swap3A_331, %swap3A_332] : memref<32x2x512xf32, #tpu.memory_space<vmem>>, vector<1x2x512xf32>
    %swap3A_334 = vector.shape_cast %swap3A_333 : vector<1x2x512xf32> to vector<2x512xf32>
    %swap3A_335 = vector.shape_cast %slice3A_329 : vector<2x512xf32> to vector<1x2x512xf32>
    tpu.vector_store %arg3[%swap3A_330, %swap3A_331, %swap3A_332], %swap3A_335 {strides = array<i32>} : memref<32x2x512xf32, #tpu.memory_space<vmem>>, vector<1x2x512xf32>,
    %slice3A_336 = vector.extract_strided_slice %concatenate3A_24 {offsets = [0, 12288], sizes = [8, 512], strides = [1, 1]} : vector<8x16384xbf16> to vector<8x512xbf16>
    %get3A_337 = arith.constant 0 : index
    %get3A_338 = arith.constant 12288 : index
    %get3A_339 = vector.load %arg1[%get3A_337, %get3A_338] : memref<512x16384xbf16, #tpu.memory_space<vmem>>, vector<512x512xbf16>
    %dot_general3A_340 = arith.constant dense<0.000000e+00> : vector<8x512xf32>
    %dot_general3A_341 = tpu.matmul %slice3A_336, %get3A_339, %dot_general3A_340 {dimension_numbers = #tpu.dot_dimension_numbers<[1], [1], [0], [0], [0, 0, 1, 0], [], []>, transpose_lhs_hint = false} : vector<8x512xbf16>, vector<512x512xbf16>, vector<8x512xf32> -> vector<8x512xf32>
    %slice3A_342 = vector.extract_strided_slice %dot_general3A_341 {offsets = [0, 0], sizes = [2, 512], strides = [1, 1]} : vector<8x512xf32> to vector<2x512xf32>
    %swap3A_343 = arith.constant 24 : index
    %swap3A_344 = arith.constant 0 : index
    %swap3A_345 = arith.constant 0 : index
    %swap3A_346 = vector.load %arg3[%swap3A_343, %swap3A_344, %swap3A_345] : memref<32x2x512xf32, #tpu.memory_space<vmem>>, vector<1x2x512xf32>
    %swap3A_347 = vector.shape_cast %swap3A_346 : vector<1x2x512xf32> to vector<2x512xf32>
    %swap3A_348 = vector.shape_cast %slice3A_342 : vector<2x512xf32> to vector<1x2x512xf32>
    tpu.vector_store %arg3[%swap3A_343, %swap3A_344, %swap3A_345], %swap3A_348 {strides = array<i32>} : memref<32x2x512xf32, #tpu.memory_space<vmem>>, vector<1x2x512xf32>,
    %slice3A_349 = vector.extract_strided_slice %concatenate3A_24 {offsets = [0, 12800], sizes = [8, 512], strides = [1, 1]} : vector<8x16384xbf16> to vector<8x512xbf16>
    %get3A_350 = arith.constant 0 : index
    %get3A_351 = arith.constant 12800 : index
    %get3A_352 = vector.load %arg1[%get3A_350, %get3A_351] : memref<512x16384xbf16, #tpu.memory_space<vmem>>, vector<512x512xbf16>
    %dot_general3A_353 = arith.constant dense<0.000000e+00> : vector<8x512xf32>
    %dot_general3A_354 = tpu.matmul %slice3A_349, %get3A_352, %dot_general3A_353 {dimension_numbers = #tpu.dot_dimension_numbers<[1], [1], [0], [0], [0, 0, 1, 0], [], []>, transpose_lhs_hint = false} : vector<8x512xbf16>, vector<512x512xbf16>, vector<8x512xf32> -> vector<8x512xf32>
    %slice3A_355 = vector.extract_strided_slice %dot_general3A_354 {offsets = [0, 0], sizes = [2, 512], strides = [1, 1]} : vector<8x512xf32> to vector<2x512xf32>
    %swap3A_356 = arith.constant 25 : index
    %swap3A_357 = arith.constant 0 : index
    %swap3A_358 = arith.constant 0 : index
    %swap3A_359 = vector.load %arg3[%swap3A_356, %swap3A_357, %swap3A_358] : memref<32x2x512xf32, #tpu.memory_space<vmem>>, vector<1x2x512xf32>
    %swap3A_360 = vector.shape_cast %swap3A_359 : vector<1x2x512xf32> to vector<2x512xf32>
    %swap3A_361 = vector.shape_cast %slice3A_355 : vector<2x512xf32> to vector<1x2x512xf32>
    tpu.vector_store %arg3[%swap3A_356, %swap3A_357, %swap3A_358], %swap3A_361 {strides = array<i32>} : memref<32x2x512xf32, #tpu.memory_space<vmem>>, vector<1x2x512xf32>,
    %slice3A_362 = vector.extract_strided_slice %concatenate3A_24 {offsets = [0, 13312], sizes = [8, 512], strides = [1, 1]} : vector<8x16384xbf16> to vector<8x512xbf16>
    %get3A_363 = arith.constant 0 : index
    %get3A_364 = arith.constant 13312 : index
    %get3A_365 = vector.load %arg1[%get3A_363, %get3A_364] : memref<512x16384xbf16, #tpu.memory_space<vmem>>, vector<512x512xbf16>
    %dot_general3A_366 = arith.constant dense<0.000000e+00> : vector<8x512xf32>
    %dot_general3A_367 = tpu.matmul %slice3A_362, %get3A_365, %dot_general3A_366 {dimension_numbers = #tpu.dot_dimension_numbers<[1], [1], [0], [0], [0, 0, 1, 0], [], []>, transpose_lhs_hint = false} : vector<8x512xbf16>, vector<512x512xbf16>, vector<8x512xf32> -> vector<8x512xf32>
    %slice3A_368 = vector.extract_strided_slice %dot_general3A_367 {offsets = [0, 0], sizes = [2, 512], strides = [1, 1]} : vector<8x512xf32> to vector<2x512xf32>
    %swap3A_369 = arith.constant 26 : index
    %swap3A_370 = arith.constant 0 : index
    %swap3A_371 = arith.constant 0 : index
    %swap3A_372 = vector.load %arg3[%swap3A_369, %swap3A_370, %swap3A_371] : memref<32x2x512xf32, #tpu.memory_space<vmem>>, vector<1x2x512xf32>
    %swap3A_373 = vector.shape_cast %swap3A_372 : vector<1x2x512xf32> to vector<2x512xf32>
    %swap3A_374 = vector.shape_cast %slice3A_368 : vector<2x512xf32> to vector<1x2x512xf32>
    tpu.vector_store %arg3[%swap3A_369, %swap3A_370, %swap3A_371], %swap3A_374 {strides = array<i32>} : memref<32x2x512xf32, #tpu.memory_space<vmem>>, vector<1x2x512xf32>,
    %slice3A_375 = vector.extract_strided_slice %concatenate3A_24 {offsets = [0, 13824], sizes = [8, 512], strides = [1, 1]} : vector<8x16384xbf16> to vector<8x512xbf16>
    %get3A_376 = arith.constant 0 : index
    %get3A_377 = arith.constant 13824 : index
    %get3A_378 = vector.load %arg1[%get3A_376, %get3A_377] : memref<512x16384xbf16, #tpu.memory_space<vmem>>, vector<512x512xbf16>
    %dot_general3A_379 = arith.constant dense<0.000000e+00> : vector<8x512xf32>
    %dot_general3A_380 = tpu.matmul %slice3A_375, %get3A_378, %dot_general3A_379 {dimension_numbers = #tpu.dot_dimension_numbers<[1], [1], [0], [0], [0, 0, 1, 0], [], []>, transpose_lhs_hint = false} : vector<8x512xbf16>, vector<512x512xbf16>, vector<8x512xf32> -> vector<8x512xf32>
    %slice3A_381 = vector.extract_strided_slice %dot_general3A_380 {offsets = [0, 0], sizes = [2, 512], strides = [1, 1]} : vector<8x512xf32> to vector<2x512xf32>
    %swap3A_382 = arith.constant 27 : index
    %swap3A_383 = arith.constant 0 : index
    %swap3A_384 = arith.constant 0 : index
    %swap3A_385 = vector.load %arg3[%swap3A_382, %swap3A_383, %swap3A_384] : memref<32x2x512xf32, #tpu.memory_space<vmem>>, vector<1x2x512xf32>
    %swap3A_386 = vector.shape_cast %swap3A_385 : vector<1x2x512xf32> to vector<2x512xf32>
    %swap3A_387 = vector.shape_cast %slice3A_381 : vector<2x512xf32> to vector<1x2x512xf32>
    tpu.vector_store %arg3[%swap3A_382, %swap3A_383, %swap3A_384], %swap3A_387 {strides = array<i32>} : memref<32x2x512xf32, #tpu.memory_space<vmem>>, vector<1x2x512xf32>,
    %slice3A_388 = vector.extract_strided_slice %concatenate3A_24 {offsets = [0, 14336], sizes = [8, 512], strides = [1, 1]} : vector<8x16384xbf16> to vector<8x512xbf16>
    %get3A_389 = arith.constant 0 : index
    %get3A_390 = arith.constant 14336 : index
    %get3A_391 = vector.load %arg1[%get3A_389, %get3A_390] : memref<512x16384xbf16, #tpu.memory_space<vmem>>, vector<512x512xbf16>
    %dot_general3A_392 = arith.constant dense<0.000000e+00> : vector<8x512xf32>
    %dot_general3A_393 = tpu.matmul %slice3A_388, %get3A_391, %dot_general3A_392 {dimension_numbers = #tpu.dot_dimension_numbers<[1], [1], [0], [0], [0, 0, 1, 0], [], []>, transpose_lhs_hint = false} : vector<8x512xbf16>, vector<512x512xbf16>, vector<8x512xf32> -> vector<8x512xf32>
    %slice3A_394 = vector.extract_strided_slice %dot_general3A_393 {offsets = [0, 0], sizes = [2, 512], strides = [1, 1]} : vector<8x512xf32> to vector<2x512xf32>
    %swap3A_395 = arith.constant 28 : index
    %swap3A_396 = arith.constant 0 : index
    %swap3A_397 = arith.constant 0 : index
    %swap3A_398 = vector.load %arg3[%swap3A_395, %swap3A_396, %swap3A_397] : memref<32x2x512xf32, #tpu.memory_space<vmem>>, vector<1x2x512xf32>
    %swap3A_399 = vector.shape_cast %swap3A_398 : vector<1x2x512xf32> to vector<2x512xf32>
    %swap3A_400 = vector.shape_cast %slice3A_394 : vector<2x512xf32> to vector<1x2x512xf32>
    tpu.vector_store %arg3[%swap3A_395, %swap3A_396, %swap3A_397], %swap3A_400 {strides = array<i32>} : memref<32x2x512xf32, #tpu.memory_space<vmem>>, vector<1x2x512xf32>,
    %slice3A_401 = vector.extract_strided_slice %concatenate3A_24 {offsets = [0, 14848], sizes = [8, 512], strides = [1, 1]} : vector<8x16384xbf16> to vector<8x512xbf16>
    %get3A_402 = arith.constant 0 : index
    %get3A_403 = arith.constant 14848 : index
    %get3A_404 = vector.load %arg1[%get3A_402, %get3A_403] : memref<512x16384xbf16, #tpu.memory_space<vmem>>, vector<512x512xbf16>
    %dot_general3A_405 = arith.constant dense<0.000000e+00> : vector<8x512xf32>
    %dot_general3A_406 = tpu.matmul %slice3A_401, %get3A_404, %dot_general3A_405 {dimension_numbers = #tpu.dot_dimension_numbers<[1], [1], [0], [0], [0, 0, 1, 0], [], []>, transpose_lhs_hint = false} : vector<8x512xbf16>, vector<512x512xbf16>, vector<8x512xf32> -> vector<8x512xf32>
    %slice3A_407 = vector.extract_strided_slice %dot_general3A_406 {offsets = [0, 0], sizes = [2, 512], strides = [1, 1]} : vector<8x512xf32> to vector<2x512xf32>
    %swap3A_408 = arith.constant 29 : index
    %swap3A_409 = arith.constant 0 : index
    %swap3A_410 = arith.constant 0 : index
    %swap3A_411 = vector.load %arg3[%swap3A_408, %swap3A_409, %swap3A_410] : memref<32x2x512xf32, #tpu.memory_space<vmem>>, vector<1x2x512xf32>
    %swap3A_412 = vector.shape_cast %swap3A_411 : vector<1x2x512xf32> to vector<2x512xf32>
    %swap3A_413 = vector.shape_cast %slice3A_407 : vector<2x512xf32> to vector<1x2x512xf32>
    tpu.vector_store %arg3[%swap3A_408, %swap3A_409, %swap3A_410], %swap3A_413 {strides = array<i32>} : memref<32x2x512xf32, #tpu.memory_space<vmem>>, vector<1x2x512xf32>,
    %slice3A_414 = vector.extract_strided_slice %concatenate3A_24 {offsets = [0, 15360], sizes = [8, 512], strides = [1, 1]} : vector<8x16384xbf16> to vector<8x512xbf16>
    %get3A_415 = arith.constant 0 : index
    %get3A_416 = arith.constant 15360 : index
    %get3A_417 = vector.load %arg1[%get3A_415, %get3A_416] : memref<512x16384xbf16, #tpu.memory_space<vmem>>, vector<512x512xbf16>
    %dot_general3A_418 = arith.constant dense<0.000000e+00> : vector<8x512xf32>
    %dot_general3A_419 = tpu.matmul %slice3A_414, %get3A_417, %dot_general3A_418 {dimension_numbers = #tpu.dot_dimension_numbers<[1], [1], [0], [0], [0, 0, 1, 0], [], []>, transpose_lhs_hint = false} : vector<8x512xbf16>, vector<512x512xbf16>, vector<8x512xf32> -> vector<8x512xf32>
    %slice3A_420 = vector.extract_strided_slice %dot_general3A_419 {offsets = [0, 0], sizes = [2, 512], strides = [1, 1]} : vector<8x512xf32> to vector<2x512xf32>
    %swap3A_421 = arith.constant 30 : index
    %swap3A_422 = arith.constant 0 : index
    %swap3A_423 = arith.constant 0 : index
    %swap3A_424 = vector.load %arg3[%swap3A_421, %swap3A_422, %swap3A_423] : memref<32x2x512xf32, #tpu.memory_space<vmem>>, vector<1x2x512xf32>
    %swap3A_425 = vector.shape_cast %swap3A_424 : vector<1x2x512xf32> to vector<2x512xf32>
    %swap3A_426 = vector.shape_cast %slice3A_420 : vector<2x512xf32> to vector<1x2x512xf32>
    tpu.vector_store %arg3[%swap3A_421, %swap3A_422, %swap3A_423], %swap3A_426 {strides = array<i32>} : memref<32x2x512xf32, #tpu.memory_space<vmem>>, vector<1x2x512xf32>,
    %slice3A_427 = vector.extract_strided_slice %concatenate3A_24 {offsets = [0, 15872], sizes = [8, 512], strides = [1, 1]} : vector<8x16384xbf16> to vector<8x512xbf16>
    %get3A_428 = arith.constant 0 : index
    %get3A_429 = arith.constant 15872 : index
    %get3A_430 = vector.load %arg1[%get3A_428, %get3A_429] : memref<512x16384xbf16, #tpu.memory_space<vmem>>, vector<512x512xbf16>
    %dot_general3A_431 = arith.constant dense<0.000000e+00> : vector<8x512xf32>
    %dot_general3A_432 = tpu.matmul %slice3A_427, %get3A_430, %dot_general3A_431 {dimension_numbers = #tpu.dot_dimension_numbers<[1], [1], [0], [0], [0, 0, 1, 0], [], []>, transpose_lhs_hint = false} : vector<8x512xbf16>, vector<512x512xbf16>, vector<8x512xf32> -> vector<8x512xf32>
    %slice3A_433 = vector.extract_strided_slice %dot_general3A_432 {offsets = [0, 0], sizes = [2, 512], strides = [1, 1]} : vector<8x512xf32> to vector<2x512xf32>
    %swap3A_434 = arith.constant 31 : index
    %swap3A_435 = arith.constant 0 : index
    %swap3A_436 = arith.constant 0 : index
    %swap3A_437 = vector.load %arg3[%swap3A_434, %swap3A_435, %swap3A_436] : memref<32x2x512xf32, #tpu.memory_space<vmem>>, vector<1x2x512xf32>
    %swap3A_438 = vector.shape_cast %swap3A_437 : vector<1x2x512xf32> to vector<2x512xf32>
    %swap3A_439 = vector.shape_cast %slice3A_433 : vector<2x512xf32> to vector<1x2x512xf32>
    tpu.vector_store %arg3[%swap3A_434, %swap3A_435, %swap3A_436], %swap3A_439 {strides = array<i32>} : memref<32x2x512xf32, #tpu.memory_space<vmem>>, vector<1x2x512xf32>,
    return
  }
}

</mosaic_0001>

<sc_bundles>
// kernel: sparse-core-data-format-call.cloned.1.call-start
scs
called_computation_lowered:
.L_overlay_start_0:
0x0: {  	s2 =	sld [smem:$0x3FD9]  }
0x1: {  	s3 =	sld [smem:$0x3FFE];
	_ =	sdelay $0x1  }
0x2: {  	s1 =	srdreg.scid  }
0x3: {  	s0 =	sand.u32 $0x1, s1  }
0x4: {  	s18 =	sshll.u32 s0, $0xA;
	s2 =	sadd.s32 s3, s2  }
0x5: {  	s2 =	sadd.s32 s2, s18  }
0x6: {  	[smem:$0x3FC7] =	sst s2  }
0x7: {  	_ = 	snop  }
0x8: {  	s2 =	sld [smem:$0x3FC9];
	(tm) =	ssettm $0x1  }
0x9: {  	s19 =	sld [smem:$0x3FFB];
	_ =	sdelay $0x3  }
0xa: {  	_ =	strace s19  }
0xb: {  	s3 =	sld [smem:$0x3FFC];
	_ =	sdelay $0x3  }
0xc: {  	_ =	strace s3  }
0xd: {  	s3 =	sld [smem:$0x3FFD];
	_ =	sdelay $0x3  }
0xe: {  	_ =	strace s3  }
0xf: {  	_ =	strace $0x8FFFFFFF  }
0x10: {  	s20 =	sld [smem:$0x3FDB];
	_ =	sdelay $0x1  }
0x11: {  	s4 =	simm.s32 $_scs_section_size  }
0x12: {  	s5 =	simm.s32 $_size__tile_overlayer_lowered;
	s6 =	simm.s32 $_tile_overlayer_lowered  }
0x13: {  	s23 =	simm.s32 $0x1BFF;
	s22 =	sshll.u32 s6, $0x1;
	s3 =	sadd.s32 s4, s20  }
0x14: {  	s7 =	simm.s32 $0x0;
	s21 =	sshll.u32 s5, $0x1;
	s5 =	sadd.s32 s22, s3  }
0x15: {  	[timem:s7], [sflag:s23] =	dma.local [hbm:s5], s21  }
0x16: {  	_ =	swait.ge [sflag:s23], s21  }
0x17: {  	s4 =	ssub.s32 $0x0, s21;
	[sflag:s23] =	ssyncset.done $0x0  }
0x18: {  	[sflag:s23] =	ssyncadd.s32 s4;
	_ =	sdelay $0x1  }
0x19: {  	s24 =	simm.s32 $0x1B8B  }
0x1a: {  	_ =	swait.ge [sflag:s24], $0x1  }
0x1b: {  	[sflag:s24] =	ssyncset.done $0x0  }
0x1c: {  	s26 =	simm.s32 $0x1B8E;
	s25 =	sld [smem:$0x3FFE];
	[sflag:s24] =	ssyncadd.s32 $0xFFFFFFFF  }
0x1d: {  	s27 =	simm.s32 $execute0_lowered;
	[smem:$0x3FD2] =	sst s26  }
0x1e: {  	s5 =	sshll.u32 s27, $0x1;
	_ =	strace $0x80000046;
	[dreg:$0x1] =	wrdreg $0xFFFFFFFF  }
0x1f: {  	s28 =	simm.s32 $_size_execute0_lowered;
	s3 =	sadd.s32 s3, s5;
	[dreg:$0x0] =	wrdreg $0x0  }
0x20: {  	s5 =	sshll.u32 s28, $0x1;
	[dreg:$0x2] =	wrdreg s3  }
0x21: {  	[dreg:$0x3] =	wrdreg s5  }
0x22: {  	[dreg:$0x4] =	wrdreg $0xC0  }
0x23: {  	_ =	task [dreg:s7], $0x5FFFF  }
0x24: {  	[dreg:$0x1] =	wrdreg $0xFFFFFFFF  }
0x25: {  	[dreg:$0x0] =	wrdreg $0x60  }
0x26: {  	[dreg:$0x2] =	wrdreg s2  }
0x27: {  	[dreg:$0x3] =	wrdreg s25  }
0x28: {  	[dreg:$0x4] =	wrdreg $0x9  }
0x29: {  	_ =	task.clear_ibuf [dreg:s7], $0x5FFFF;
	_ =	strace $0x90000046  }
0x2a: {  	s29 =	simm.s32 $0x9;
	_ =	strace $0x80000048  }
0x2b: {  	_ =	swait.ge [sflag:s29], $0x1  }
0x2c: {  	[sflag:s29] =	ssyncadd.s32 $0xFFFFFFFF  }
0x2d: {  	_ =	strace $0x90000048  }
0x2e: {  	_ =	sfence  }
0x2f: {  	s30 =	sld [smem:$0x0];
	_ =	sdelay $0x2  }
0x30: {  	s31 =	sshll.u32 s1, $0xD;
	s1 =	sshrl.u32 s1, $0x2  }
0x31: {  	s3 =	sand.u32 $0x4000, s31;
	s1 =	sadd.s32 s1, s30  }
0x32: {  	s0 =	sor.u32 s3, s0;
	s1 =	sshll.u32 s1, $0x11  }
0x33: {  	s0 =	sor.u32 s1, s0  }
0x34: {  	s0 =	sadd.s32 $0x8F2B, s0  }
0x35: {  	[sflag:s0] =	ssyncadd.remote.s32 $0x1  }
0x36: {  	_ =	sfence.sel $0xFFFF  }
0x37: {  	[dreg:$0x0] =	wrdreg $0xFFFFFFFF;
	(pc) =	sbr.abs _section_cstart, $3  }
0x38: {  	[dreg:$0x1] =	wrdreg $0xFFFFFFFF  }
0x39: {  	_ =	task.clear_ibuf [dreg:s7], $0x2FFFF;
	_ =	strace $0x9FFFFFFF  }
0x3a: {  	(tm) =	ssettm $0x7FFFFFFF  }
0x3b: {  	_ =	shalt  }
tec
execute0_lowered:
.L_overlay_start_1:
0x0: {  	(tag) =	ssettag $0x1  }
0x1: {  	s0 =	srdreg.scid  }
0x2: {  	s1 =	sshll.u32 s0, $0x4  }
0x3: {  	s3 =	rddreg [dreg:$0x0];
	s0 =	stileid.u32;
	s1 =	sand.u32 $0x10, s1  }
0x4: {  	s4 =	rddreg [dreg:$0x1];
	s1 =	sor.u32 s0, s1  }
0x5: {  	s6 =	simm.s32 $0x1;
	s31 =	simm.s32 $0x2;
	s2 =	sshll.u32 s1, $0x7  }
0x6: {  	s13 =	simm.s32 $0x0;
	s8 =	simm.s32 $0x20000;
	s5 =	ssub.s32 $0x4000, s2  }
0x7: {  	s12 =	simm.s32 $0x0;
	s9 =	simm.s32 $0x0;
	s30 =	sand.u32 $0xF80, s5  }
.Ltmp0:
0x8: {  	s11 =	simm.s32 $0x0;
	p0 =	sne.s32 s30, $0x0;
	(pc) =	sbr.rel .LBB1_1-.Ltmp0, $4  }
0x9: {  	s1 =	rddreg [dreg:$0x2];
	s7 =	sshrl.u32 s5, $0xC;
	s6 =	simm.s32 @!p0 $0x0  }
0xa: {  	_ =	strace $0x80000047;
	s5 =	simm.s32 $0x1;
	s6 =	sadd.s32 s6, s7  }
0xb: {  	s10 =	smov.u32 s2;
	[sflag:s5] =	ssyncpa.u1 $0x0;
	s6 =	sshll.u32 s6, $0x2  }
0xc: {  	[sflag:s31] =	ssyncpa.u1 $0x0;
	p0 =	por $0x0, $0x0;
	s7 =	sor.u32 $0x1, s6  }
.LBB1_4:
0xd: {  	v5 =	vld [tilespmem:s16+$0xFFFFFFD0]  }
0xe: {  	[tilespmem:s17+$0x2040 ss:$0x81] =	vst.msk $0xffff, v1;
	v58 =	vld [tilespmem:s16+$0xFFFFFFE0]  }
0xf: {  	[tilespmem:s17+$0x2850 ss:$0x81] =	vst.msk $0xffff, v2;
	v59 =	vld [tilespmem:s16+$0xFFFFFFF0]  }
0x10: {  	s18 =	sshra.s32 s18, $0x2;
	[tilespmem:s17+$0x3060 ss:$0x81] =	vst.msk $0xffff, v3;
	v60 =	vld [tilespmem:s16+$0x0]  }
0x11: {  	[tilespmem:s17+$0x0 ss:$0x81] =	vst.msk $0xffff, v0;
	v61 =	vld [tilespmem:s16+$0x10];
	s15 =	sadd.s32 s18, s15  }
0x12: {  	s26 =	sshll.u32 s13, $0xE;
	v62 =	vld [tilespmem:s16+$0x20];
	[tilespmem:s15+$0x3870 ss:$0x81] =	vst.msk $0xffff, v4  }
0x13: {  	s27 =	sand.u32 $0x78, s12;
	s19 =	sshll.u32 s12, $0x3;
	v63 =	vld [tilespmem:s16+$0xFFFFFFC0];
	s29 =	sshll.u32 s13, $0x7;
	[tilespmem:s15+$0x810 ss:$0x81] =	vst.msk $0xffff, v5  }
0x14: {  	s17 =	sand.u32 $0x7E0000, s26;
	s28 =	sand.u32 $0x7FFC00, s19;
	s19 =	sand.u32 $0x3C00, s19;
	[tilespmem:s15+$0x1020 ss:$0x81] =	vst.msk $0xffff, v58  }
0x15: {  	s13 =	sand.u32 $0x380, s29;
	s16 =	sadd.s32 s28, s17;
	s30 =	sor.u32 s27, s19;
	[tilespmem:s15+$0x1830 ss:$0x81] =	vst.msk $0xffff, v59  }
0x16: {  	s16 =	sand.u32 $0x7FC000, s16;
	s13 =	sor.u32 s13, s30;
	[tilespmem:s15+$0x2040 ss:$0x81] =	vst.msk $0xffff, v60  }
0x17: {  	s31 =	sand.u32 $0x7, s12;
	s13 =	sor.u32 s16, s13;
	[tilespmem:s15+$0x2850 ss:$0x81] =	vst.msk $0xffff, v61  }
0x18: {  	s12 =	sshll.u32 s31, $0x12;
	[tilespmem:s15+$0x3060 ss:$0x81] =	vst.msk $0xffff, v62;
	s13 =	sshrl.u32 s13, $0x3  }
0x19: {  	s12 =	sor.u32 $0x400, s12;
	[tilespmem:s15+$0x0 ss:$0x81] =	vst.msk $0xffff, v63;
	s13 =	sadd.s32 s4, s13  }
0x1a: {  	[hbm4b:s13+s12] =	stream.strided.scatter [tilespmem:s14], [sflag:$0x2], $0x4000, s8, s12, $0x20;
	[tilespmem:$0x10100] =	vst v63  }
.LBB1_5:
0x1b: {  	s14 =	sadd.s32 $0x80, s9  }
0x1c: {  	s12 =	sadd.s32 $0x1000, s10;
	s16 =	smov.u32 s10;
	p2 =	sgt.s32 s14, $0x1FF  }
0x1d: {  	s16 =	smov.u32 @p2 s12  }
0x1e: {  	s14 =	simm.s32 @p2 $0x0;
	p2 =	sgt.s32 s16, $0x3FFF  }
0x1f: {  	s16 =	smov.u32 @p2 s2;
	p2 =	sne.s32 s11, s7  }
.Ltmp1:
0x20: {  	p1 =	slt.u32 s11, $0x2;
	(pc) =	sbr.rel @!p2 .LBB1_6-.Ltmp1, $4  }
0x21: {  	s15 =	simm.s32 @!p1 $0x2  }
0x22: {  	s13 =	smov.u32 s9;
	p0 =	por !p0, !p0;
	_ =	swait.ge @!p1 [sflag:s15], $0x4000  }
0x23: {  	s12 =	smov.u32 s10;
	[sflag:s15] =	ssyncset.done @!p1 $0x0;
	s9 =	smov.u32 s14  }
0x24: {  	s11 =	sadd.s32 $0x1, s11;
	[sflag:s15] =	ssyncadd.s32 @!p1 $0xFFFFC000;
	s10 =	smov.u32 s16  }
.LBB1_1:
0x25: {  	p1 =	sge.u32 s11, s6  }
0x26: {  	s31 =	sadd.s32 $0xFFFFFFFF, s11;
	s14 =	sshll.u32 @!p1 s10, $0x9  }
0x27: {  	s15 =	sshll.u32 @!p1 s9, $0x3;
	s16 =	sshll.u32 @!p1 s10, $0x7;
	s14 =	sand.u32 @!p1 $0x7FF000, s14  }
0x28: {  	s17 =	sand.u32 @!p1 $0x78, s9;
	s14 =	sadd.s32 @!p1 s14, s15;
	s15 =	sand.u32 @!p1 $0x380, s16  }
0x29: {  	s16 =	sxor.u32 @!p1 $0xFFFFFFFF, s11;
	s14 =	sand.u32 @!p1 $0x7FFC00, s14;
	s15 =	sor.u32 @!p1 s15, s17  }
0x2a: {  	s16 =	sshll.u32 @!p1 s16, $0xE;
	s14 =	sor.u32 @!p1 s14, s15;
	s15 =	sand.u32 @!p1 $0x7, s9  }
0x2b: {  	s17 =	simm.s32 @!p1 $0x1000;
	s14 =	sshrl.u32 @!p1 s14, $0x3;
	s15 =	sshll.u32 @!p1 s15, $0x12  }
0x2c: {  	s16 =	sand.u32 @!p1 $0x4000, s16;
	s14 =	sadd.s32 @!p1 s3, s14;
	s15 =	sor.u32 @!p1 $0x400, s15  }
0x2d: {  	[tilespmem:s16], [sflag:$0x1] =	stream.strided.gather @!p1 [hbm4b:s14+s15], $0x4000, s17, s15, $0x38;
	[tilespmem:$0x10100] =	vst v63  }
0x2e: {  	p1 =	sge.u32 s31, s6  }
.Ltmp2:
0x2f: {  	_ = 	snop;
	(pc) =	sbr.rel @p1 .LBB1_5-.Ltmp2, $1  }
0x30: {  	_ =	sdelay $0x3  }
0x31: {  	s14 =	simm.s32 $0x1  }
0x32: {  	_ =	swait.ge [sflag:s5], $0x4000;
	s14 =	simm.s32 @!p0 $0x0  }
0x33: {  	[sflag:s5] =	ssyncset.done $0x0;
	s15 =	sshll.u32 s14, $0xE  }
0x34: {  	[sflag:s5] =	ssyncadd.s32 $0xFFFFC000;
	s16 =	sor.u32 $0x40, s15  }
0x35: {  	s14 =	smul.u32 $0x10200, s14;
	v0 =	vld [tilespmem:s16+$0x30]  }
0x36: {  	v3 =	vld [tilespmem:s16+$0xFFFFFFD0]  }
0x37: {  	s14 =	sshrl.u32 s14, $0x2;
	v4 =	vld [tilespmem:s16+$0xFFFFFFE0]  }
0x38: {  	v5 =	vld [tilespmem:s16+$0xFFFFFFF0];
	s15 =	sor.u32 $0x8000, s14  }
0x39: {  	s31 =	sand.u32 $0x1, s11;
	v1 =	vld [tilespmem:s16+$0x0];
	s17 =	sadd.s32 $0x0, s15  }
0x3a: {  	v2 =	vld [tilespmem:s16+$0x10];
	s14 =	smul.u32 $0x10200, s31;
	[tilespmem:s17+$0x3870 ss:$0x81] =	vst.msk $0xffff, v0  }
0x3b: {  	[tilespmem:s17+$0x810 ss:$0x81] =	vst.msk $0xffff, v3;
	v3 =	vld [tilespmem:s16+$0x20]  }
0x3c: {  	s14 =	sshrl.u32 s14, $0x2;
	v0 =	vld [tilespmem:s16+$0xFFFFFFC0];
	[tilespmem:s17+$0x1020 ss:$0x81] =	vst.msk $0xffff, v4;
	s16 =	sadd.s32 $0x80, s16  }
0x3d: {  	s18 =	simm.s32 $0x4;
	s19 =	simm.s32 $0x8;
	s14 =	sor.u32 $0x8000, s14;
	[tilespmem:s17+$0x1830 ss:$0x81] =	vst.msk $0xffff, v5;
	v4 =	vld [tilespmem:s16+$0x30]  }
.LBB1_3:
0x3e: {  	p1 =	sne.s32 s19, $0x1FC;
	v5 =	vld [tilespmem:s16+$0xFFFFFFD0];
	[tilespmem:s17+$0x2040 ss:$0x81] =	vst.msk $0xffff, v1  }
0x3f: {  	v6 =	vld [tilespmem:s16+$0xFFFFFFE0];
	[tilespmem:s17+$0x2850 ss:$0x81] =	vst.msk $0xffff, v2  }
0x40: {  	s20 =	sshra.s32 s18, $0x2;
	s18 =	smov.u32 s19;
	v7 =	vld [tilespmem:s16+$0xFFFFFFF0];
	[tilespmem:s17+$0x3060 ss:$0x81] =	vst.msk $0xffff, v3  }
.Ltmp3:
0x41: {  	v1 =	vld [tilespmem:s16+$0x0];
	[tilespmem:s17+$0x0 ss:$0x81] =	vst.msk $0xffff, v0;
	s17 =	sadd.s32 s20, s15;
	(pc) =	sbr.rel @p1 .LBB1_3-.Ltmp3, $4  }
0x42: {  	v2 =	vld [tilespmem:s16+$0x10];
	[tilespmem:s17+$0x3870 ss:$0x81] =	vst.msk $0xffff, v4  }
0x43: {  	[tilespmem:s17+$0x810 ss:$0x81] =	vst.msk $0xffff, v5;
	v3 =	vld [tilespmem:s16+$0x20]  }
0x44: {  	v0 =	vld [tilespmem:s16+$0xFFFFFFC0];
	[tilespmem:s17+$0x1020 ss:$0x81] =	vst.msk $0xffff, v6;
	s16 =	sadd.s32 $0x80, s16  }
0x45: {  	s19 =	sadd.s32 $0x4, s19;
	v4 =	vld [tilespmem:s16+$0x30];
	[tilespmem:s17+$0x1830 ss:$0x81] =	vst.msk $0xffff, v7  }
.Ltmp4:
0x46: {  	_ = 	snop;
	(pc) =	sbr.rel .LBB1_4-.Ltmp4, $1  }
0x47: {  	_ =	sdelay $0x3  }
.LBB1_6:
0x48: {  	_ =	sfence.sel $0x180000  }
0x49: {  	s2 =	simm.s32 $0x1;
	[bflag:$0x0] =	sbarrier.arrive $0xFFFF  }
0x4a: {  	s31 =	simm.s32 $0x2;
	[sflag:s2] =	ssyncpa.u1 $0x1  }
0x4b: {  	[sflag:s31] =	ssyncpa.u1 $0x1  }
0x4c: {  	p0 =	sne.s32 s0, $0x0;
	_ =	strace $0x90000047  }
0x4d: {  	s0 =	sadd.s32 @!p0 $0x100000, s1;
	[bflag:$0x2] =	sbarrier.arrive $0xFFFF  }
0x4e: {  	[sflag:s0] =	ssyncadd.tile.s32 @!p0 $0x1;
	_ =	shalt  }
.Lfunc_end1:
_tile_overlayer_lowered:
.L_overlay_start_2:
0x4f: {  	(tag) =	ssettag $0x2  }
0x50: {  	s0 =	rddreg [dreg:$0x0];
	s2 =	stileid.u32  }
0x51: {  	s1 =	rddreg [dreg:$0x1];
	p0 =	sne.s32 s2, $0x0  }
0x52: {  	s3 =	rddreg [dreg:$0x2];
	[bflag:$0x3] =	sbarrier.arrive $0xFFFF;
	s2 =	simm.s32 @!p0 $0x1C01  }
0x53: {  	[timem:s3], [sflag:s2] =	dma.local @!p0 [hbm:s0], s1  }
0x54: {  	s0 =	simm.s32 @!p0 $0x1  }
0x55: {  	_ =	swait.ge @!p0 [sflag:s0], s1  }
0x56: {  	s1 =	ssub.s32 @!p0 $0x0, s1;
	[sflag:s0] =	ssyncset.done @!p0 $0x0  }
0x57: {  	[sflag:s0] =	ssyncadd.s32 @!p0 s1  }
0x58: {  	[bflag:$0x3] =	sbarrier.arrive $0xFFFF  }
0x59: {  	_ =	shalt  }

</sc_bundles>
